<compile_context>
chip_gen: v7x
topology: tpu7x:2x2x1
jax: 0.10.2.dev20260603
libtpu: 0.0.44.dev20260713+nightly
codegen_flags: <defaults>
</compile_context>

<pallas_src>
import functools

import jax
import jax.numpy as jnp
from jax import lax
from jax.experimental import pallas as pl
from jax.experimental.pallas import tpu as pltpu
from jax.experimental.pallas import tpu_sc as plsc

MARGIN = 1.0
NC = 2
NS = 16
L = 16
D = 128


@functools.lru_cache(maxsize=None)
def _make_sc_kernel(B: int):
    assert B % (8 * NC * NS) == 0 and D % L == 0
    b_per_w = B // (NC * NS)
    C = 64
    n_chunks = b_per_w // C
    ROWS_U = 1

    mesh = plsc.VectorSubcoreMesh(
        core_axis_name="c", subcore_axis_name="s",
        num_cores=NC, num_subcores=NS)

    scratch = []
    for _ in range(2):
        scratch += [
            pltpu.VMEM((C,), jnp.int32),
            pltpu.VMEM((C,), jnp.int32),
            pltpu.VMEM((C, D), jnp.float32),
            pltpu.VMEM((C, D), jnp.float32),
            pltpu.VMEM((C, D), jnp.float32),
            pltpu.VMEM((C, D), jnp.float32),
        ]
    scratch += [
        pltpu.VMEM((L,), jnp.float32),
        pltpu.SemaphoreType.DMA,
        pltpu.SemaphoreType.DMA,
        pltpu.SemaphoreType.DMA,
        pltpu.SemaphoreType.DMA,
    ]

    @functools.partial(
        pl.kernel,
        out_type=jax.ShapeDtypeStruct((NC * NS, L), jnp.float32),
        mesh=mesh,
        scratch_types=scratch,
        compiler_params=pltpu.CompilerParams(needs_layout_passes=False),
    )
    def sc_kernel(xs_hbm, xd_hbm, hni_hbm, out_hbm,
                  i1a, i2a, xsa, xda, g1a, g2a,
                  i1b, i2b, xsb, xdb, g1b, g2b,
                  acc_v, isem0, isem1, sem0, sem1):
        idx1_v = (i1a, i1b)
        idx2_v = (i2a, i2b)
        xs_v = (xsa, xsb)
        xd_v = (xda, xdb)
        g1_v = (g1a, g1b)
        g2_v = (g2a, g2b)
        isem = (isem0, isem1)
        sem = (sem0, sem1)

        wid = lax.axis_index("s") * NC + lax.axis_index("c")
        base = wid * b_per_w
        margin = jnp.full((L,), MARGIN, jnp.float32)
        bs = jnp.full((L,), B, jnp.int32)
        last_lane = lax.iota(jnp.int32, L) == (L - 1)

        def stage_idx(ci, b):
            row0 = base + ci * C
            return (
                pltpu.async_copy(hni_hbm.at[pl.ds(row0, C)], idx1_v[b], isem[b]),
                pltpu.async_copy(hni_hbm.at[pl.ds(B + row0, C)], idx2_v[b], isem[b]),
            )

        def stage_bulk(ci, b):
            row0 = base + ci * C
            pltpu.async_copy(xs_hbm.at[idx2_v[b]], g2_v[b], sem[b])
            pltpu.async_copy(xs_hbm.at[pl.ds(row0, C)], xs_v[b], sem[b])
            pltpu.async_copy(xd_hbm.at[pl.ds(row0, C)], xd_v[b], sem[b])
            for j in range(C // L):
                sl = pl.ds(j * L, L)
                idx1_v[b][sl] = idx1_v[b][sl] - bs
            pltpu.async_copy(xd_hbm.at[idx1_v[b]], g1_v[b], sem[b])

        def compute_chunk(b, acc):
            xs_r, xd_r, g1_r, g2_r = xs_v[b], xd_v[b], g1_v[b], g2_v[b]

            @plsc.parallel_loop(0, C, step=1, unroll=ROWS_U, carry=acc)
            def row_loop(r, a):
                z = jnp.zeros((L,), jnp.float32)
                p, n1, n2 = z, z, z
                for k in range(D // L):
                    sl = pl.ds(k * L, L)
                    s = xs_r[r, sl]
                    t = xd_r[r, sl]
                    a1 = g1_r[r, sl]
                    a2 = g2_r[r, sl]
                    dp = s - t
                    p = p + dp * dp
                    d1 = s - a1
                    n1 = n1 + d1 * d1
                    d2 = t - a2
                    n2 = n2 + d2 * d2
                c1 = plsc.cumsum(p - n1)
                c2 = plsc.cumsum(p - n2)
                l1 = jnp.maximum(c1 + margin, 0.0)
                l2 = jnp.maximum(c2 + margin, 0.0)
                return a + jnp.where(last_lane, l1 + l2, 0.0)

            return row_loop

        def wait_idx(b):
            pltpu.make_async_copy(
                hni_hbm.at[pl.ds(0, C)], idx1_v[b], isem[b]).wait()
            pltpu.make_async_copy(
                hni_hbm.at[pl.ds(0, C)], idx2_v[b], isem[b]).wait()

        def wait_bulk(b):
            pltpu.make_async_copy(xs_hbm.at[pl.ds(0, C)], xs_v[b], sem[b]).wait()
            pltpu.make_async_copy(xd_hbm.at[pl.ds(0, C)], xd_v[b], sem[b]).wait()
            pltpu.make_async_copy(xd_hbm.at[pl.ds(0, C)], g1_v[b], sem[b]).wait()
            pltpu.make_async_copy(xs_hbm.at[pl.ds(0, C)], g2_v[b], sem[b]).wait()

        stage_idx(0, 0)
        wait_idx(0)
        stage_bulk(0, 0)
        stage_idx(1, 1)

        def pair_iter(i, acc):
            ci = 2 * i
            wait_idx(1)
            stage_bulk(ci + 1, 1)
            wait_bulk(0)

            @pl.when(ci + 2 < n_chunks)
            def _():
                stage_idx(ci + 2, 0)

            acc = compute_chunk(0, acc)

            @pl.when(ci + 2 < n_chunks)
            def _():
                wait_idx(0)
                stage_bulk(ci + 2, 0)

            wait_bulk(1)

            @pl.when(ci + 3 < n_chunks)
            def _():
                stage_idx(ci + 3, 1)

            return compute_chunk(1, acc)

        acc = lax.fori_loop(
            0, n_chunks // 2, pair_iter, jnp.zeros((L,), jnp.float32))

        acc_v[...] = acc
        pltpu.sync_copy(acc_v, out_hbm.at[wid])

    return sc_kernel


def kernel(x_shape, x_desc, batch_size, margin, hard_neg_ind):
    B = x_shape.shape[0]
    hni = hard_neg_ind.astype(jnp.int32)
    partials = _make_sc_kernel(B)(x_shape, x_desc, hni)
    return jnp.sum(partials)

# --- scband reference (transcript-rebuilt; emitter-appended) ---
"""Pipeline reference for scband-triplet-loss-hard-negative-16492674417108 (READ-ONLY COPY).

The authoritative reference and input builder live on the scoring server;
editing this copy changes nothing except your own understanding.
"""

import jax, jax.numpy as jnp
import numpy as np

B = 16384
D = 128

def setup_inputs(seed: int = 0) -> dict:
    key = jax.random.key(seed)
    k1, k2, k3, k4 = jax.random.split(key, 4)
    x_shape = jax.random.normal(k1, (B, D), dtype=jnp.float32)
    x_desc = jax.random.normal(k2, (B, D), dtype=jnp.float32)
    # First half indexes into x_desc after subtracting batch_size -> values in [B, 2B).
    # Second half indexes directly into x_shape -> values in [0, B).
    hni_first = jax.random.randint(k3, (B,), B, 2 * B, dtype=jnp.int64) if jax.config.jax_enable_x64 else jax.random.randint(k3, (B,), B, 2 * B).astype(jnp.int32)
    hni_second = jax.random.randint(k4, (B,), 0, B, dtype=jnp.int64) if jax.config.jax_enable_x64 else jax.random.randint(k4, (B,), 0, B).astype(jnp.int32)
    hard_neg_ind = jnp.concatenate([hni_first, hni_second], axis=0)
    return {"x_shape": x_shape, "x_desc": x_desc, "batch_size": B, "margin": 1.0, "hard_neg_ind": hard_neg_ind}

def reference(x_shape, x_desc, batch_size, margin, hard_neg_ind):
    n = hard_neg_ind.shape[0] // 2
    diff_pos_1 = x_shape - x_desc
    hard_neg_ind_shapes = (hard_neg_ind[:n] - batch_size).squeeze()
    diff_neg_1 = x_shape - jnp.take(x_desc, hard_neg_ind_shapes, axis=0)
    pos_red_1 = jnp.sum(diff_pos_1 ** 2, axis=1)
    neg_red_1 = jnp.sum(diff_neg_1 ** 2, axis=1)
    diff_pos_2 = x_desc - x_shape
    hard_neg_ind_desc = hard_neg_ind[n:].squeeze()
    diff_neg_2 = x_desc - jnp.take(x_shape, hard_neg_ind_desc, axis=0)
    pos_red_2 = jnp.sum(diff_pos_2 ** 2, axis=1)
    neg_red_2 = jnp.sum(diff_neg_2 ** 2, axis=1)
    loss = jnp.sum(jax.nn.relu(pos_red_1 - neg_red_1 + margin), axis=0) + jnp.sum(jax.nn.relu(pos_red_2 - neg_red_2 + margin), axis=0)
    return loss

if __name__ == "__main__":
    import jax
    _d = setup_inputs()
    print(jax.jit(kernel)(*tuple(_d.values())))

</pallas_src>

<mosaic_0001>
#map = affine_map<(d0, d1) -> (0, 0)>
#map1 = affine_map<(d0, d1) -> (0)>
module attributes {stable_mosaic.version = 14 : i64} {
  func.func @sc_kernel(%arg0: i32, %arg1: i32, %arg2: memref<16384x128xf32, #tpu.memory_space<hbm>>, %arg3: memref<16384x128xf32, #tpu.memory_space<hbm>>, %arg4: memref<32768xi32, #tpu.memory_space<hbm>>, %arg5: memref<32x16xf32, #tpu.memory_space<hbm>>, %arg6: memref<64xi32, #tpu.memory_space<vmem>>, %arg7: memref<64xi32, #tpu.memory_space<vmem>>, %arg8: memref<64x128xf32, #tpu.memory_space<vmem>>, %arg9: memref<64x128xf32, #tpu.memory_space<vmem>>, %arg10: memref<64x128xf32, #tpu.memory_space<vmem>>, %arg11: memref<64x128xf32, #tpu.memory_space<vmem>>, %arg12: memref<64xi32, #tpu.memory_space<vmem>>, %arg13: memref<64xi32, #tpu.memory_space<vmem>>, %arg14: memref<64x128xf32, #tpu.memory_space<vmem>>, %arg15: memref<64x128xf32, #tpu.memory_space<vmem>>, %arg16: memref<64x128xf32, #tpu.memory_space<vmem>>, %arg17: memref<64x128xf32, #tpu.memory_space<vmem>>, %arg18: memref<16xf32, #tpu.memory_space<vmem>>, %arg19: memref<!tpu.dma_semaphore, #tpu.memory_space<semaphore_mem>>, %arg20: memref<!tpu.dma_semaphore, #tpu.memory_space<semaphore_mem>>, %arg21: memref<!tpu.dma_semaphore, #tpu.memory_space<semaphore_mem>>, %arg22: memref<!tpu.dma_semaphore, #tpu.memory_space<semaphore_mem>>) attributes {dimension_semantics = [#tpu.dimension_semantics<core_parallel>, #tpu.dimension_semantics<subcore_parallel>], iteration_bounds = array<i64: 2, 16>, scalar_prefetch = 0 : i64, scratch_operands = 17 : i64, tpu.core_type = #tpu.core_type<sc_vector_subcore>, window_params = [{transform_indices = #map}, {transform_indices = #map}, {transform_indices = #map1}, {transform_indices = #map}]} {
    %mul3A = arith.constant 2 : i32
    %mul3A_0 = arith.muli %arg1, %mul3A : i32
    %add3A = arith.addi %mul3A_0, %arg0 : i32
    %mul3A_1 = arith.constant 512 : i32
    %mul3A_2 = arith.muli %add3A, %mul3A_1 : i32
    %broadcast_in_dim3A = arith.constant 1.000000e+00 : f32
    %broadcast_in_dim3A_3 = vector.broadcast %broadcast_in_dim3A : f32 to vector<16xf32>
    %broadcast_in_dim3A_4 = arith.constant 16384 : i32
    %broadcast_in_dim3A_5 = vector.broadcast %broadcast_in_dim3A_4 : i32 to vector<16xi32>
    %iota3A = tpu.iota {dimensions = array<i32: 0>} : vector<16xi32>
    %eq3A = arith.constant 15 : i32
    %eq3A_6 = vector.broadcast %eq3A : i32 to vector<16xi32>
    %eq3A_7 = arith.cmpi eq, %iota3A, %eq3A_6 : vector<16xi32>
    %add3A_8 = arith.constant 0 : i32
    %add3A_9 = arith.addi %mul3A_2, %add3A_8 : i32
    %dma_start3A = tpu.memref_slice %arg4[%add3A_9] : memref<32768xi32, #tpu.memory_space<hbm>> -> memref<64xi32, #tpu.memory_space<hbm>>
    %dma_start3A_10 = tpu.memref_slice %arg4[%add3A_9] : memref<32768xi32, #tpu.memory_space<hbm>> -> memref<64xi32, #tpu.memory_space<hbm>>
    tpu.enqueue_dma source(%dma_start3A_10 : memref<64xi32, #tpu.memory_space<hbm>>) target(%arg6 : memref<64xi32, #tpu.memory_space<vmem>>) target_semaphore(%arg19 : memref<!tpu.dma_semaphore, #tpu.memory_space<semaphore_mem>>)
    %add3A_11 = arith.constant 16384 : i32
    %add3A_12 = arith.addi %add3A_11, %add3A_9 : i32
    %dma_start3A_13 = tpu.memref_slice %arg4[%add3A_12] : memref<32768xi32, #tpu.memory_space<hbm>> -> memref<64xi32, #tpu.memory_space<hbm>>
    %dma_start3A_14 = tpu.memref_slice %arg4[%add3A_12] : memref<32768xi32, #tpu.memory_space<hbm>> -> memref<64xi32, #tpu.memory_space<hbm>>
    tpu.enqueue_dma source(%dma_start3A_14 : memref<64xi32, #tpu.memory_space<hbm>>) target(%arg7 : memref<64xi32, #tpu.memory_space<vmem>>) target_semaphore(%arg19 : memref<!tpu.dma_semaphore, #tpu.memory_space<semaphore_mem>>)
    %dma_wait3A = arith.constant 0 : i32
    %dma_wait3A_15 = tpu.memref_slice %arg4[%dma_wait3A] : memref<32768xi32, #tpu.memory_space<hbm>> -> memref<64xi32, #tpu.memory_space<hbm>>
    %dma_wait3A_16 = arith.constant 0 : i32
    %dma_wait3A_17 = tpu.memref_slice %arg4[%dma_wait3A_16] : memref<32768xi32, #tpu.memory_space<hbm>> -> memref<64xi32, #tpu.memory_space<hbm>>
    tpu.wait_dma2 semaphore(%arg19 : memref<!tpu.dma_semaphore, #tpu.memory_space<semaphore_mem>>) src(%dma_wait3A_17 : memref<64xi32, #tpu.memory_space<hbm>>) dst(%arg6 : memref<64xi32, #tpu.memory_space<vmem>>)
    %dma_wait3A_18 = arith.constant 0 : i32
    %dma_wait3A_19 = tpu.memref_slice %arg4[%dma_wait3A_18] : memref<32768xi32, #tpu.memory_space<hbm>> -> memref<64xi32, #tpu.memory_space<hbm>>
    %dma_wait3A_20 = arith.constant 0 : i32
    %dma_wait3A_21 = tpu.memref_slice %arg4[%dma_wait3A_20] : memref<32768xi32, #tpu.memory_space<hbm>> -> memref<64xi32, #tpu.memory_space<hbm>>
    tpu.wait_dma2 semaphore(%arg19 : memref<!tpu.dma_semaphore, #tpu.memory_space<semaphore_mem>>) src(%dma_wait3A_21 : memref<64xi32, #tpu.memory_space<hbm>>) dst(%arg7 : memref<64xi32, #tpu.memory_space<vmem>>)
    %add3A_22 = arith.constant 0 : i32
    %add3A_23 = arith.addi %mul3A_2, %add3A_22 : i32
    %dma_start3A_24 = arith.constant 0 : i32
    %dma_start3A_25 = arith.constant 0 : i32
    %dma_start3A_26 = tpu.memref_slice %arg2[%dma_start3A_24, %dma_start3A_25] : memref<16384x128xf32, #tpu.memory_space<hbm>> -> memref<16384x128xf32, #tpu.memory_space<hbm>>
    tpu.enqueue_indirect_dma source(%dma_start3A_26 : memref<16384x128xf32, #tpu.memory_space<hbm>>) target(%arg11 : memref<64x128xf32, #tpu.memory_space<vmem>>) offsets(%arg7 : memref<64xi32, #tpu.memory_space<vmem>>) semaphore(%arg21 : memref<!tpu.dma_semaphore, #tpu.memory_space<semaphore_mem>>)
    %dma_start3A_27 = arith.constant 0 : i32
    %dma_start3A_28 = tpu.memref_slice %arg2[%add3A_23, %dma_start3A_27] : memref<16384x128xf32, #tpu.memory_space<hbm>> -> memref<64x128xf32, #tpu.memory_space<hbm>>
    %dma_start3A_29 = arith.constant 0 : i32
    %dma_start3A_30 = tpu.memref_slice %arg2[%add3A_23, %dma_start3A_29] : memref<16384x128xf32, #tpu.memory_space<hbm>> -> memref<64x128xf32, #tpu.memory_space<hbm>>
    tpu.enqueue_dma source(%dma_start3A_30 : memref<64x128xf32, #tpu.memory_space<hbm>>) target(%arg8 : memref<64x128xf32, #tpu.memory_space<vmem>>) target_semaphore(%arg21 : memref<!tpu.dma_semaphore, #tpu.memory_space<semaphore_mem>>)
    %dma_start3A_31 = arith.constant 0 : i32
    %dma_start3A_32 = tpu.memref_slice %arg3[%add3A_23, %dma_start3A_31] : memref<16384x128xf32, #tpu.memory_space<hbm>> -> memref<64x128xf32, #tpu.memory_space<hbm>>
    %dma_start3A_33 = arith.constant 0 : i32
    %dma_start3A_34 = tpu.memref_slice %arg3[%add3A_23, %dma_start3A_33] : memref<16384x128xf32, #tpu.memory_space<hbm>> -> memref<64x128xf32, #tpu.memory_space<hbm>>
    tpu.enqueue_dma source(%dma_start3A_34 : memref<64x128xf32, #tpu.memory_space<hbm>>) target(%arg9 : memref<64x128xf32, #tpu.memory_space<vmem>>) target_semaphore(%arg21 : memref<!tpu.dma_semaphore, #tpu.memory_space<semaphore_mem>>)
    %get3A = arith.constant 0 : index
    %get3A_35 = tpu.vector_load %arg6[%get3A] {strides = array<i32>} : memref<64xi32, #tpu.memory_space<vmem>>, vector<16xi32>,
    %sub3A = arith.subi %get3A_35, %broadcast_in_dim3A_5 : vector<16xi32>
    %swap3A = arith.constant 0 : index
    %swap3A_36 = tpu.vector_load %arg6[%swap3A] {strides = array<i32>} : memref<64xi32, #tpu.memory_space<vmem>>, vector<16xi32>,
    tpu.vector_store %arg6[%swap3A], %sub3A {strides = array<i32>} : memref<64xi32, #tpu.memory_space<vmem>>, vector<16xi32>,
    %get3A_37 = arith.constant 16 : index
    %get3A_38 = tpu.vector_load %arg6[%get3A_37] {strides = array<i32>} : memref<64xi32, #tpu.memory_space<vmem>>, vector<16xi32>,
    %sub3A_39 = arith.subi %get3A_38, %broadcast_in_dim3A_5 : vector<16xi32>
    %swap3A_40 = arith.constant 16 : index
    %swap3A_41 = tpu.vector_load %arg6[%swap3A_40] {strides = array<i32>} : memref<64xi32, #tpu.memory_space<vmem>>, vector<16xi32>,
    tpu.vector_store %arg6[%swap3A_40], %sub3A_39 {strides = array<i32>} : memref<64xi32, #tpu.memory_space<vmem>>, vector<16xi32>,
    %get3A_42 = arith.constant 32 : index
    %get3A_43 = tpu.vector_load %arg6[%get3A_42] {strides = array<i32>} : memref<64xi32, #tpu.memory_space<vmem>>, vector<16xi32>,
    %sub3A_44 = arith.subi %get3A_43, %broadcast_in_dim3A_5 : vector<16xi32>
    %swap3A_45 = arith.constant 32 : index
    %swap3A_46 = tpu.vector_load %arg6[%swap3A_45] {strides = array<i32>} : memref<64xi32, #tpu.memory_space<vmem>>, vector<16xi32>,
    tpu.vector_store %arg6[%swap3A_45], %sub3A_44 {strides = array<i32>} : memref<64xi32, #tpu.memory_space<vmem>>, vector<16xi32>,
    %get3A_47 = arith.constant 48 : index
    %get3A_48 = tpu.vector_load %arg6[%get3A_47] {strides = array<i32>} : memref<64xi32, #tpu.memory_space<vmem>>, vector<16xi32>,
    %sub3A_49 = arith.subi %get3A_48, %broadcast_in_dim3A_5 : vector<16xi32>
    %swap3A_50 = arith.constant 48 : index
    %swap3A_51 = tpu.vector_load %arg6[%swap3A_50] {strides = array<i32>} : memref<64xi32, #tpu.memory_space<vmem>>, vector<16xi32>,
    tpu.vector_store %arg6[%swap3A_50], %sub3A_49 {strides = array<i32>} : memref<64xi32, #tpu.memory_space<vmem>>, vector<16xi32>,
    %dma_start3A_52 = arith.constant 0 : i32
    %dma_start3A_53 = arith.constant 0 : i32
    %dma_start3A_54 = tpu.memref_slice %arg3[%dma_start3A_52, %dma_start3A_53] : memref<16384x128xf32, #tpu.memory_space<hbm>> -> memref<16384x128xf32, #tpu.memory_space<hbm>>
    tpu.enqueue_indirect_dma source(%dma_start3A_54 : memref<16384x128xf32, #tpu.memory_space<hbm>>) target(%arg10 : memref<64x128xf32, #tpu.memory_space<vmem>>) offsets(%arg6 : memref<64xi32, #tpu.memory_space<vmem>>) semaphore(%arg21 : memref<!tpu.dma_semaphore, #tpu.memory_space<semaphore_mem>>)
    %add3A_55 = arith.constant 64 : i32
    %add3A_56 = arith.addi %mul3A_2, %add3A_55 : i32
    %dma_start3A_57 = tpu.memref_slice %arg4[%add3A_56] : memref<32768xi32, #tpu.memory_space<hbm>> -> memref<64xi32, #tpu.memory_space<hbm>>
    %dma_start3A_58 = tpu.memref_slice %arg4[%add3A_56] : memref<32768xi32, #tpu.memory_space<hbm>> -> memref<64xi32, #tpu.memory_space<hbm>>
    tpu.enqueue_dma source(%dma_start3A_58 : memref<64xi32, #tpu.memory_space<hbm>>) target(%arg12 : memref<64xi32, #tpu.memory_space<vmem>>) target_semaphore(%arg20 : memref<!tpu.dma_semaphore, #tpu.memory_space<semaphore_mem>>)
    %add3A_59 = arith.constant 16384 : i32
    %add3A_60 = arith.addi %add3A_59, %add3A_56 : i32
    %dma_start3A_61 = tpu.memref_slice %arg4[%add3A_60] : memref<32768xi32, #tpu.memory_space<hbm>> -> memref<64xi32, #tpu.memory_space<hbm>>
    %dma_start3A_62 = tpu.memref_slice %arg4[%add3A_60] : memref<32768xi32, #tpu.memory_space<hbm>> -> memref<64xi32, #tpu.memory_space<hbm>>
    tpu.enqueue_dma source(%dma_start3A_62 : memref<64xi32, #tpu.memory_space<hbm>>) target(%arg13 : memref<64xi32, #tpu.memory_space<vmem>>) target_semaphore(%arg20 : memref<!tpu.dma_semaphore, #tpu.memory_space<semaphore_mem>>)
    %broadcast_in_dim3A_63 = arith.constant 0.000000e+00 : f32
    %broadcast_in_dim3A_64 = vector.broadcast %broadcast_in_dim3A_63 : f32 to vector<16xf32>
    %scan3A = arith.constant 0 : i32
    %scan3A_65 = arith.constant 4 : i32
    %scan3A_66 = arith.addi %scan3A, %scan3A_65 : i32
    %scan3A_67 = arith.constant 1 : i32
    %scan3A_68 = scf.for %scan3A_72 = %scan3A to %scan3A_66 step %scan3A_67 iter_args(%scan3A_73 = %broadcast_in_dim3A_64) -> (vector<16xf32>)  : i32 {
      %mul3A_74 = arith.constant 2 : i32
      %mul3A_75 = arith.muli %mul3A_74, %scan3A_72 : i32
      %dma_wait3A_76 = arith.constant 0 : i32
      %dma_wait3A_77 = tpu.memref_slice %arg4[%dma_wait3A_76] : memref<32768xi32, #tpu.memory_space<hbm>> -> memref<64xi32, #tpu.memory_space<hbm>>
      %dma_wait3A_78 = arith.constant 0 : i32
      %dma_wait3A_79 = tpu.memref_slice %arg4[%dma_wait3A_78] : memref<32768xi32, #tpu.memory_space<hbm>> -> memref<64xi32, #tpu.memory_space<hbm>>
      tpu.wait_dma2 semaphore(%arg20 : memref<!tpu.dma_semaphore, #tpu.memory_space<semaphore_mem>>) src(%dma_wait3A_79 : memref<64xi32, #tpu.memory_space<hbm>>) dst(%arg12 : memref<64xi32, #tpu.memory_space<vmem>>)
      %dma_wait3A_80 = arith.constant 0 : i32
      %dma_wait3A_81 = tpu.memref_slice %arg4[%dma_wait3A_80] : memref<32768xi32, #tpu.memory_space<hbm>> -> memref<64xi32, #tpu.memory_space<hbm>>
      %dma_wait3A_82 = arith.constant 0 : i32
      %dma_wait3A_83 = tpu.memref_slice %arg4[%dma_wait3A_82] : memref<32768xi32, #tpu.memory_space<hbm>> -> memref<64xi32, #tpu.memory_space<hbm>>
      tpu.wait_dma2 semaphore(%arg20 : memref<!tpu.dma_semaphore, #tpu.memory_space<semaphore_mem>>) src(%dma_wait3A_83 : memref<64xi32, #tpu.memory_space<hbm>>) dst(%arg13 : memref<64xi32, #tpu.memory_space<vmem>>)
      %add3A_84 = arith.constant 1 : i32
      %add3A_85 = arith.addi %mul3A_75, %add3A_84 : i32
      %mul3A_86 = arith.constant 64 : i32
      %mul3A_87 = arith.muli %add3A_85, %mul3A_86 : i32
      %add3A_88 = arith.addi %mul3A_2, %mul3A_87 : i32
      %dma_start3A_89 = arith.constant 0 : i32
      %dma_start3A_90 = arith.constant 0 : i32
      %dma_start3A_91 = tpu.memref_slice %arg2[%dma_start3A_89, %dma_start3A_90] : memref<16384x128xf32, #tpu.memory_space<hbm>> -> memref<16384x128xf32, #tpu.memory_space<hbm>>
      tpu.enqueue_indirect_dma source(%dma_start3A_91 : memref<16384x128xf32, #tpu.memory_space<hbm>>) target(%arg17 : memref<64x128xf32, #tpu.memory_space<vmem>>) offsets(%arg13 : memref<64xi32, #tpu.memory_space<vmem>>) semaphore(%arg22 : memref<!tpu.dma_semaphore, #tpu.memory_space<semaphore_mem>>)
      %dma_start3A_92 = arith.constant 0 : i32
      %dma_start3A_93 = tpu.memref_slice %arg2[%add3A_88, %dma_start3A_92] : memref<16384x128xf32, #tpu.memory_space<hbm>> -> memref<64x128xf32, #tpu.memory_space<hbm>>
      %dma_start3A_94 = arith.constant 0 : i32
      %dma_start3A_95 = tpu.memref_slice %arg2[%add3A_88, %dma_start3A_94] : memref<16384x128xf32, #tpu.memory_space<hbm>> -> memref<64x128xf32, #tpu.memory_space<hbm>>
      tpu.enqueue_dma source(%dma_start3A_95 : memref<64x128xf32, #tpu.memory_space<hbm>>) target(%arg14 : memref<64x128xf32, #tpu.memory_space<vmem>>) target_semaphore(%arg22 : memref<!tpu.dma_semaphore, #tpu.memory_space<semaphore_mem>>)
      %dma_start3A_96 = arith.constant 0 : i32
      %dma_start3A_97 = tpu.memref_slice %arg3[%add3A_88, %dma_start3A_96] : memref<16384x128xf32, #tpu.memory_space<hbm>> -> memref<64x128xf32, #tpu.memory_space<hbm>>
      %dma_start3A_98 = arith.constant 0 : i32
      %dma_start3A_99 = tpu.memref_slice %arg3[%add3A_88, %dma_start3A_98] : memref<16384x128xf32, #tpu.memory_space<hbm>> -> memref<64x128xf32, #tpu.memory_space<hbm>>
      tpu.enqueue_dma source(%dma_start3A_99 : memref<64x128xf32, #tpu.memory_space<hbm>>) target(%arg15 : memref<64x128xf32, #tpu.memory_space<vmem>>) target_semaphore(%arg22 : memref<!tpu.dma_semaphore, #tpu.memory_space<semaphore_mem>>)
      %get3A_100 = arith.constant 0 : index
      %get3A_101 = tpu.vector_load %arg12[%get3A_100] {strides = array<i32>} : memref<64xi32, #tpu.memory_space<vmem>>, vector<16xi32>,
      %sub3A_102 = arith.subi %get3A_101, %broadcast_in_dim3A_5 : vector<16xi32>
      %swap3A_103 = arith.constant 0 : index
      %swap3A_104 = tpu.vector_load %arg12[%swap3A_103] {strides = array<i32>} : memref<64xi32, #tpu.memory_space<vmem>>, vector<16xi32>,
      tpu.vector_store %arg12[%swap3A_103], %sub3A_102 {strides = array<i32>} : memref<64xi32, #tpu.memory_space<vmem>>, vector<16xi32>,
      %get3A_105 = arith.constant 16 : index
      %get3A_106 = tpu.vector_load %arg12[%get3A_105] {strides = array<i32>} : memref<64xi32, #tpu.memory_space<vmem>>, vector<16xi32>,
      %sub3A_107 = arith.subi %get3A_106, %broadcast_in_dim3A_5 : vector<16xi32>
      %swap3A_108 = arith.constant 16 : index
      %swap3A_109 = tpu.vector_load %arg12[%swap3A_108] {strides = array<i32>} : memref<64xi32, #tpu.memory_space<vmem>>, vector<16xi32>,
      tpu.vector_store %arg12[%swap3A_108], %sub3A_107 {strides = array<i32>} : memref<64xi32, #tpu.memory_space<vmem>>, vector<16xi32>,
      %get3A_110 = arith.constant 32 : index
      %get3A_111 = tpu.vector_load %arg12[%get3A_110] {strides = array<i32>} : memref<64xi32, #tpu.memory_space<vmem>>, vector<16xi32>,
      %sub3A_112 = arith.subi %get3A_111, %broadcast_in_dim3A_5 : vector<16xi32>
      %swap3A_113 = arith.constant 32 : index
      %swap3A_114 = tpu.vector_load %arg12[%swap3A_113] {strides = array<i32>} : memref<64xi32, #tpu.memory_space<vmem>>, vector<16xi32>,
      tpu.vector_store %arg12[%swap3A_113], %sub3A_112 {strides = array<i32>} : memref<64xi32, #tpu.memory_space<vmem>>, vector<16xi32>,
      %get3A_115 = arith.constant 48 : index
      %get3A_116 = tpu.vector_load %arg12[%get3A_115] {strides = array<i32>} : memref<64xi32, #tpu.memory_space<vmem>>, vector<16xi32>,
      %sub3A_117 = arith.subi %get3A_116, %broadcast_in_dim3A_5 : vector<16xi32>
      %swap3A_118 = arith.constant 48 : index
      %swap3A_119 = tpu.vector_load %arg12[%swap3A_118] {strides = array<i32>} : memref<64xi32, #tpu.memory_space<vmem>>, vector<16xi32>,
      tpu.vector_store %arg12[%swap3A_118], %sub3A_117 {strides = array<i32>} : memref<64xi32, #tpu.memory_space<vmem>>, vector<16xi32>,
      %dma_start3A_120 = arith.constant 0 : i32
      %dma_start3A_121 = arith.constant 0 : i32
      %dma_start3A_122 = tpu.memref_slice %arg3[%dma_start3A_120, %dma_start3A_121] : memref<16384x128xf32, #tpu.memory_space<hbm>> -> memref<16384x128xf32, #tpu.memory_space<hbm>>
      tpu.enqueue_indirect_dma source(%dma_start3A_122 : memref<16384x128xf32, #tpu.memory_space<hbm>>) target(%arg16 : memref<64x128xf32, #tpu.memory_space<vmem>>) offsets(%arg12 : memref<64xi32, #tpu.memory_space<vmem>>) semaphore(%arg22 : memref<!tpu.dma_semaphore, #tpu.memory_space<semaphore_mem>>)
      %dma_wait3A_123 = arith.constant 0 : i32
      %dma_wait3A_124 = arith.constant 0 : i32
      %dma_wait3A_125 = tpu.memref_slice %arg2[%dma_wait3A_123, %dma_wait3A_124] : memref<16384x128xf32, #tpu.memory_space<hbm>> -> memref<64x128xf32, #tpu.memory_space<hbm>>
      %dma_wait3A_126 = arith.constant 0 : i32
      %dma_wait3A_127 = arith.constant 0 : i32
      %dma_wait3A_128 = tpu.memref_slice %arg2[%dma_wait3A_126, %dma_wait3A_127] : memref<16384x128xf32, #tpu.memory_space<hbm>> -> memref<64x128xf32, #tpu.memory_space<hbm>>
      tpu.wait_dma2 semaphore(%arg21 : memref<!tpu.dma_semaphore, #tpu.memory_space<semaphore_mem>>) src(%dma_wait3A_128 : memref<64x128xf32, #tpu.memory_space<hbm>>) dst(%arg8 : memref<64x128xf32, #tpu.memory_space<vmem>>)
      %dma_wait3A_129 = arith.constant 0 : i32
      %dma_wait3A_130 = arith.constant 0 : i32
      %dma_wait3A_131 = tpu.memref_slice %arg3[%dma_wait3A_129, %dma_wait3A_130] : memref<16384x128xf32, #tpu.memory_space<hbm>> -> memref<64x128xf32, #tpu.memory_space<hbm>>
      %dma_wait3A_132 = arith.constant 0 : i32
      %dma_wait3A_133 = arith.constant 0 : i32
      %dma_wait3A_134 = tpu.memref_slice %arg3[%dma_wait3A_132, %dma_wait3A_133] : memref<16384x128xf32, #tpu.memory_space<hbm>> -> memref<64x128xf32, #tpu.memory_space<hbm>>
      tpu.wait_dma2 semaphore(%arg21 : memref<!tpu.dma_semaphore, #tpu.memory_space<semaphore_mem>>) src(%dma_wait3A_134 : memref<64x128xf32, #tpu.memory_space<hbm>>) dst(%arg9 : memref<64x128xf32, #tpu.memory_space<vmem>>)
      %dma_wait3A_135 = arith.constant 0 : i32
      %dma_wait3A_136 = arith.constant 0 : i32
      %dma_wait3A_137 = tpu.memref_slice %arg3[%dma_wait3A_135, %dma_wait3A_136] : memref<16384x128xf32, #tpu.memory_space<hbm>> -> memref<64x128xf32, #tpu.memory_space<hbm>>
      %dma_wait3A_138 = arith.constant 0 : i32
      %dma_wait3A_139 = arith.constant 0 : i32
      %dma_wait3A_140 = tpu.memref_slice %arg3[%dma_wait3A_138, %dma_wait3A_139] : memref<16384x128xf32, #tpu.memory_space<hbm>> -> memref<64x128xf32, #tpu.memory_space<hbm>>
      tpu.wait_dma2 semaphore(%arg21 : memref<!tpu.dma_semaphore, #tpu.memory_space<semaphore_mem>>) src(%dma_wait3A_140 : memref<64x128xf32, #tpu.memory_space<hbm>>) dst(%arg10 : memref<64x128xf32, #tpu.memory_space<vmem>>)
      %dma_wait3A_141 = arith.constant 0 : i32
      %dma_wait3A_142 = arith.constant 0 : i32
      %dma_wait3A_143 = tpu.memref_slice %arg2[%dma_wait3A_141, %dma_wait3A_142] : memref<16384x128xf32, #tpu.memory_space<hbm>> -> memref<64x128xf32, #tpu.memory_space<hbm>>
      %dma_wait3A_144 = arith.constant 0 : i32
      %dma_wait3A_145 = arith.constant 0 : i32
      %dma_wait3A_146 = tpu.memref_slice %arg2[%dma_wait3A_144, %dma_wait3A_145] : memref<16384x128xf32, #tpu.memory_space<hbm>> -> memref<64x128xf32, #tpu.memory_space<hbm>>
      tpu.wait_dma2 semaphore(%arg21 : memref<!tpu.dma_semaphore, #tpu.memory_space<semaphore_mem>>) src(%dma_wait3A_146 : memref<64x128xf32, #tpu.memory_space<hbm>>) dst(%arg11 : memref<64x128xf32, #tpu.memory_space<vmem>>)
      %add3A_147 = arith.constant 2 : i32
      %add3A_148 = arith.addi %mul3A_75, %add3A_147 : i32
      %lt3A = arith.constant 8 : i32
      %lt3A_149 = arith.cmpi slt, %add3A_148, %lt3A : i32
      %convert_element_type3A = arith.extui %lt3A_149 : i1 to i32
      %cond3A = arith.constant 0 : i32
      %cond3A_150 = arith.cmpi ne, %convert_element_type3A, %cond3A : i32
      scf.if %cond3A_150 {
        %add3A_196 = arith.constant 2 : i32
        %add3A_197 = arith.addi %mul3A_75, %add3A_196 : i32
        %mul3A_198 = arith.constant 64 : i32
        %mul3A_199 = arith.muli %add3A_197, %mul3A_198 : i32
        %add3A_200 = arith.addi %mul3A_2, %mul3A_199 : i32
        %dma_start3A_201 = tpu.memref_slice %arg4[%add3A_200] : memref<32768xi32, #tpu.memory_space<hbm>> -> memref<64xi32, #tpu.memory_space<hbm>>
        %dma_start3A_202 = tpu.memref_slice %arg4[%add3A_200] : memref<32768xi32, #tpu.memory_space<hbm>> -> memref<64xi32, #tpu.memory_space<hbm>>
        tpu.enqueue_dma source(%dma_start3A_202 : memref<64xi32, #tpu.memory_space<hbm>>) target(%arg6 : memref<64xi32, #tpu.memory_space<vmem>>) target_semaphore(%arg19 : memref<!tpu.dma_semaphore, #tpu.memory_space<semaphore_mem>>)
        %add3A_203 = arith.constant 16384 : i32
        %add3A_204 = arith.addi %add3A_203, %add3A_200 : i32
        %dma_start3A_205 = tpu.memref_slice %arg4[%add3A_204] : memref<32768xi32, #tpu.memory_space<hbm>> -> memref<64xi32, #tpu.memory_space<hbm>>
        %dma_start3A_206 = tpu.memref_slice %arg4[%add3A_204] : memref<32768xi32, #tpu.memory_space<hbm>> -> memref<64xi32, #tpu.memory_space<hbm>>
        tpu.enqueue_dma source(%dma_start3A_206 : memref<64xi32, #tpu.memory_space<hbm>>) target(%arg7 : memref<64xi32, #tpu.memory_space<vmem>>) target_semaphore(%arg19 : memref<!tpu.dma_semaphore, #tpu.memory_space<semaphore_mem>>)
      } else {
      }
      %parallel_loop3A = arith.constant 0 : i32
      %parallel_loop3A_151 = arith.constant 64 : i32
      %parallel_loop3A_152 = arith.constant 1 : i32
      %parallel_loop3A_153 = scf.for %parallel_loop3A_196 = %parallel_loop3A to %parallel_loop3A_151 step %parallel_loop3A_152 iter_args(%parallel_loop3A_197 = %scan3A_73) -> (vector<16xf32>)  : i32 {
        %parallel_loop3A_198 = arith.constant 0.000000e+00 : f32
        %parallel_loop3A_199 = vector.broadcast %parallel_loop3A_198 : f32 to vector<16xf32>
        %parallel_loop3A_200 = arith.index_cast %parallel_loop3A_196 : i32 to index
        %parallel_loop3A_201 = arith.constant 0 : index
        %parallel_loop3A_202 = tpu.vector_load %arg8[%parallel_loop3A_200, %parallel_loop3A_201] {strides = array<i32>} : memref<64x128xf32, #tpu.memory_space<vmem>>, vector<16xf32>,
        %parallel_loop3A_203 = arith.index_cast %parallel_loop3A_196 : i32 to index
        %parallel_loop3A_204 = arith.constant 0 : index
        %parallel_loop3A_205 = tpu.vector_load %arg9[%parallel_loop3A_203, %parallel_loop3A_204] {strides = array<i32>} : memref<64x128xf32, #tpu.memory_space<vmem>>, vector<16xf32>,
        %parallel_loop3A_206 = arith.index_cast %parallel_loop3A_196 : i32 to index
        %parallel_loop3A_207 = arith.constant 0 : index
        %parallel_loop3A_208 = tpu.vector_load %arg10[%parallel_loop3A_206, %parallel_loop3A_207] {strides = array<i32>} : memref<64x128xf32, #tpu.memory_space<vmem>>, vector<16xf32>,
        %parallel_loop3A_209 = arith.index_cast %parallel_loop3A_196 : i32 to index
        %parallel_loop3A_210 = arith.constant 0 : index
        %parallel_loop3A_211 = tpu.vector_load %arg11[%parallel_loop3A_209, %parallel_loop3A_210] {strides = array<i32>} : memref<64x128xf32, #tpu.memory_space<vmem>>, vector<16xf32>,
        %parallel_loop3A_212 = arith.subf %parallel_loop3A_202, %parallel_loop3A_205 : vector<16xf32>
        %parallel_loop3A_213 = arith.mulf %parallel_loop3A_212, %parallel_loop3A_212 : vector<16xf32>
        %parallel_loop3A_214 = arith.addf %parallel_loop3A_199, %parallel_loop3A_213 : vector<16xf32>
        %parallel_loop3A_215 = arith.subf %parallel_loop3A_202, %parallel_loop3A_208 : vector<16xf32>
        %parallel_loop3A_216 = arith.mulf %parallel_loop3A_215, %parallel_loop3A_215 : vector<16xf32>
        %parallel_loop3A_217 = arith.addf %parallel_loop3A_199, %parallel_loop3A_216 : vector<16xf32>
        %parallel_loop3A_218 = arith.subf %parallel_loop3A_205, %parallel_loop3A_211 : vector<16xf32>
        %parallel_loop3A_219 = arith.mulf %parallel_loop3A_218, %parallel_loop3A_218 : vector<16xf32>
        %parallel_loop3A_220 = arith.addf %parallel_loop3A_199, %parallel_loop3A_219 : vector<16xf32>
        %parallel_loop3A_221 = arith.index_cast %parallel_loop3A_196 : i32 to index
        %parallel_loop3A_222 = arith.constant 16 : index
        %parallel_loop3A_223 = tpu.vector_load %arg8[%parallel_loop3A_221, %parallel_loop3A_222] {strides = array<i32>} : memref<64x128xf32, #tpu.memory_space<vmem>>, vector<16xf32>,
        %parallel_loop3A_224 = arith.index_cast %parallel_loop3A_196 : i32 to index
        %parallel_loop3A_225 = arith.constant 16 : index
        %parallel_loop3A_226 = tpu.vector_load %arg9[%parallel_loop3A_224, %parallel_loop3A_225] {strides = array<i32>} : memref<64x128xf32, #tpu.memory_space<vmem>>, vector<16xf32>,
        %parallel_loop3A_227 = arith.index_cast %parallel_loop3A_196 : i32 to index
        %parallel_loop3A_228 = arith.constant 16 : index
        %parallel_loop3A_229 = tpu.vector_load %arg10[%parallel_loop3A_227, %parallel_loop3A_228] {strides = array<i32>} : memref<64x128xf32, #tpu.memory_space<vmem>>, vector<16xf32>,
        %parallel_loop3A_230 = arith.index_cast %parallel_loop3A_196 : i32 to index
        %parallel_loop3A_231 = arith.constant 16 : index
        %parallel_loop3A_232 = tpu.vector_load %arg11[%parallel_loop3A_230, %parallel_loop3A_231] {strides = array<i32>} : memref<64x128xf32, #tpu.memory_space<vmem>>, vector<16xf32>,
        %parallel_loop3A_233 = arith.subf %parallel_loop3A_223, %parallel_loop3A_226 : vector<16xf32>
        %parallel_loop3A_234 = arith.mulf %parallel_loop3A_233, %parallel_loop3A_233 : vector<16xf32>
        %parallel_loop3A_235 = arith.addf %parallel_loop3A_214, %parallel_loop3A_234 : vector<16xf32>
        %parallel_loop3A_236 = arith.subf %parallel_loop3A_223, %parallel_loop3A_229 : vector<16xf32>
        %parallel_loop3A_237 = arith.mulf %parallel_loop3A_236, %parallel_loop3A_236 : vector<16xf32>
        %parallel_loop3A_238 = arith.addf %parallel_loop3A_217, %parallel_loop3A_237 : vector<16xf32>
        %parallel_loop3A_239 = arith.subf %parallel_loop3A_226, %parallel_loop3A_232 : vector<16xf32>
        %parallel_loop3A_240 = arith.mulf %parallel_loop3A_239, %parallel_loop3A_239 : vector<16xf32>
        %parallel_loop3A_241 = arith.addf %parallel_loop3A_220, %parallel_loop3A_240 : vector<16xf32>
        %parallel_loop3A_242 = arith.index_cast %parallel_loop3A_196 : i32 to index
        %parallel_loop3A_243 = arith.constant 32 : index
        %parallel_loop3A_244 = tpu.vector_load %arg8[%parallel_loop3A_242, %parallel_loop3A_243] {strides = array<i32>} : memref<64x128xf32, #tpu.memory_space<vmem>>, vector<16xf32>,
        %parallel_loop3A_245 = arith.index_cast %parallel_loop3A_196 : i32 to index
        %parallel_loop3A_246 = arith.constant 32 : index
        %parallel_loop3A_247 = tpu.vector_load %arg9[%parallel_loop3A_245, %parallel_loop3A_246] {strides = array<i32>} : memref<64x128xf32, #tpu.memory_space<vmem>>, vector<16xf32>,
        %parallel_loop3A_248 = arith.index_cast %parallel_loop3A_196 : i32 to index
        %parallel_loop3A_249 = arith.constant 32 : index
        %parallel_loop3A_250 = tpu.vector_load %arg10[%parallel_loop3A_248, %parallel_loop3A_249] {strides = array<i32>} : memref<64x128xf32, #tpu.memory_space<vmem>>, vector<16xf32>,
        %parallel_loop3A_251 = arith.index_cast %parallel_loop3A_196 : i32 to index
        %parallel_loop3A_252 = arith.constant 32 : index
        %parallel_loop3A_253 = tpu.vector_load %arg11[%parallel_loop3A_251, %parallel_loop3A_252] {strides = array<i32>} : memref<64x128xf32, #tpu.memory_space<vmem>>, vector<16xf32>,
        %parallel_loop3A_254 = arith.subf %parallel_loop3A_244, %parallel_loop3A_247 : vector<16xf32>
        %parallel_loop3A_255 = arith.mulf %parallel_loop3A_254, %parallel_loop3A_254 : vector<16xf32>
        %parallel_loop3A_256 = arith.addf %parallel_loop3A_235, %parallel_loop3A_255 : vector<16xf32>
        %parallel_loop3A_257 = arith.subf %parallel_loop3A_244, %parallel_loop3A_250 : vector<16xf32>
        %parallel_loop3A_258 = arith.mulf %parallel_loop3A_257, %parallel_loop3A_257 : vector<16xf32>
        %parallel_loop3A_259 = arith.addf %parallel_loop3A_238, %parallel_loop3A_258 : vector<16xf32>
        %parallel_loop3A_260 = arith.subf %parallel_loop3A_247, %parallel_loop3A_253 : vector<16xf32>
        %parallel_loop3A_261 = arith.mulf %parallel_loop3A_260, %parallel_loop3A_260 : vector<16xf32>
        %parallel_loop3A_262 = arith.addf %parallel_loop3A_241, %parallel_loop3A_261 : vector<16xf32>
        %parallel_loop3A_263 = arith.index_cast %parallel_loop3A_196 : i32 to index
        %parallel_loop3A_264 = arith.constant 48 : index
        %parallel_loop3A_265 = tpu.vector_load %arg8[%parallel_loop3A_263, %parallel_loop3A_264] {strides = array<i32>} : memref<64x128xf32, #tpu.memory_space<vmem>>, vector<16xf32>,
        %parallel_loop3A_266 = arith.index_cast %parallel_loop3A_196 : i32 to index
        %parallel_loop3A_267 = arith.constant 48 : index
        %parallel_loop3A_268 = tpu.vector_load %arg9[%parallel_loop3A_266, %parallel_loop3A_267] {strides = array<i32>} : memref<64x128xf32, #tpu.memory_space<vmem>>, vector<16xf32>,
        %parallel_loop3A_269 = arith.index_cast %parallel_loop3A_196 : i32 to index
        %parallel_loop3A_270 = arith.constant 48 : index
        %parallel_loop3A_271 = tpu.vector_load %arg10[%parallel_loop3A_269, %parallel_loop3A_270] {strides = array<i32>} : memref<64x128xf32, #tpu.memory_space<vmem>>, vector<16xf32>,
        %parallel_loop3A_272 = arith.index_cast %parallel_loop3A_196 : i32 to index
        %parallel_loop3A_273 = arith.constant 48 : index
        %parallel_loop3A_274 = tpu.vector_load %arg11[%parallel_loop3A_272, %parallel_loop3A_273] {strides = array<i32>} : memref<64x128xf32, #tpu.memory_space<vmem>>, vector<16xf32>,
        %parallel_loop3A_275 = arith.subf %parallel_loop3A_265, %parallel_loop3A_268 : vector<16xf32>
        %parallel_loop3A_276 = arith.mulf %parallel_loop3A_275, %parallel_loop3A_275 : vector<16xf32>
        %parallel_loop3A_277 = arith.addf %parallel_loop3A_256, %parallel_loop3A_276 : vector<16xf32>
        %parallel_loop3A_278 = arith.subf %parallel_loop3A_265, %parallel_loop3A_271 : vector<16xf32>
        %parallel_loop3A_279 = arith.mulf %parallel_loop3A_278, %parallel_loop3A_278 : vector<16xf32>
        %parallel_loop3A_280 = arith.addf %parallel_loop3A_259, %parallel_loop3A_279 : vector<16xf32>
        %parallel_loop3A_281 = arith.subf %parallel_loop3A_268, %parallel_loop3A_274 : vector<16xf32>
        %parallel_loop3A_282 = arith.mulf %parallel_loop3A_281, %parallel_loop3A_281 : vector<16xf32>
        %parallel_loop3A_283 = arith.addf %parallel_loop3A_262, %parallel_loop3A_282 : vector<16xf32>
        %parallel_loop3A_284 = arith.index_cast %parallel_loop3A_196 : i32 to index
        %parallel_loop3A_285 = arith.constant 64 : index
        %parallel_loop3A_286 = tpu.vector_load %arg8[%parallel_loop3A_284, %parallel_loop3A_285] {strides = array<i32>} : memref<64x128xf32, #tpu.memory_space<vmem>>, vector<16xf32>,
        %parallel_loop3A_287 = arith.index_cast %parallel_loop3A_196 : i32 to index
        %parallel_loop3A_288 = arith.constant 64 : index
        %parallel_loop3A_289 = tpu.vector_load %arg9[%parallel_loop3A_287, %parallel_loop3A_288] {strides = array<i32>} : memref<64x128xf32, #tpu.memory_space<vmem>>, vector<16xf32>,
        %parallel_loop3A_290 = arith.index_cast %parallel_loop3A_196 : i32 to index
        %parallel_loop3A_291 = arith.constant 64 : index
        %parallel_loop3A_292 = tpu.vector_load %arg10[%parallel_loop3A_290, %parallel_loop3A_291] {strides = array<i32>} : memref<64x128xf32, #tpu.memory_space<vmem>>, vector<16xf32>,
        %parallel_loop3A_293 = arith.index_cast %parallel_loop3A_196 : i32 to index
        %parallel_loop3A_294 = arith.constant 64 : index
        %parallel_loop3A_295 = tpu.vector_load %arg11[%parallel_loop3A_293, %parallel_loop3A_294] {strides = array<i32>} : memref<64x128xf32, #tpu.memory_space<vmem>>, vector<16xf32>,
        %parallel_loop3A_296 = arith.subf %parallel_loop3A_286, %parallel_loop3A_289 : vector<16xf32>
        %parallel_loop3A_297 = arith.mulf %parallel_loop3A_296, %parallel_loop3A_296 : vector<16xf32>
        %parallel_loop3A_298 = arith.addf %parallel_loop3A_277, %parallel_loop3A_297 : vector<16xf32>
        %parallel_loop3A_299 = arith.subf %parallel_loop3A_286, %parallel_loop3A_292 : vector<16xf32>
        %parallel_loop3A_300 = arith.mulf %parallel_loop3A_299, %parallel_loop3A_299 : vector<16xf32>
        %parallel_loop3A_301 = arith.addf %parallel_loop3A_280, %parallel_loop3A_300 : vector<16xf32>
        %parallel_loop3A_302 = arith.subf %parallel_loop3A_289, %parallel_loop3A_295 : vector<16xf32>
        %parallel_loop3A_303 = arith.mulf %parallel_loop3A_302, %parallel_loop3A_302 : vector<16xf32>
        %parallel_loop3A_304 = arith.addf %parallel_loop3A_283, %parallel_loop3A_303 : vector<16xf32>
        %parallel_loop3A_305 = arith.index_cast %parallel_loop3A_196 : i32 to index
        %parallel_loop3A_306 = arith.constant 80 : index
        %parallel_loop3A_307 = tpu.vector_load %arg8[%parallel_loop3A_305, %parallel_loop3A_306] {strides = array<i32>} : memref<64x128xf32, #tpu.memory_space<vmem>>, vector<16xf32>,
        %parallel_loop3A_308 = arith.index_cast %parallel_loop3A_196 : i32 to index
        %parallel_loop3A_309 = arith.constant 80 : index
        %parallel_loop3A_310 = tpu.vector_load %arg9[%parallel_loop3A_308, %parallel_loop3A_309] {strides = array<i32>} : memref<64x128xf32, #tpu.memory_space<vmem>>, vector<16xf32>,
        %parallel_loop3A_311 = arith.index_cast %parallel_loop3A_196 : i32 to index
        %parallel_loop3A_312 = arith.constant 80 : index
        %parallel_loop3A_313 = tpu.vector_load %arg10[%parallel_loop3A_311, %parallel_loop3A_312] {strides = array<i32>} : memref<64x128xf32, #tpu.memory_space<vmem>>, vector<16xf32>,
        %parallel_loop3A_314 = arith.index_cast %parallel_loop3A_196 : i32 to index
        %parallel_loop3A_315 = arith.constant 80 : index
        %parallel_loop3A_316 = tpu.vector_load %arg11[%parallel_loop3A_314, %parallel_loop3A_315] {strides = array<i32>} : memref<64x128xf32, #tpu.memory_space<vmem>>, vector<16xf32>,
        %parallel_loop3A_317 = arith.subf %parallel_loop3A_307, %parallel_loop3A_310 : vector<16xf32>
        %parallel_loop3A_318 = arith.mulf %parallel_loop3A_317, %parallel_loop3A_317 : vector<16xf32>
        %parallel_loop3A_319 = arith.addf %parallel_loop3A_298, %parallel_loop3A_318 : vector<16xf32>
        %parallel_loop3A_320 = arith.subf %parallel_loop3A_307, %parallel_loop3A_313 : vector<16xf32>
        %parallel_loop3A_321 = arith.mulf %parallel_loop3A_320, %parallel_loop3A_320 : vector<16xf32>
        %parallel_loop3A_322 = arith.addf %parallel_loop3A_301, %parallel_loop3A_321 : vector<16xf32>
        %parallel_loop3A_323 = arith.subf %parallel_loop3A_310, %parallel_loop3A_316 : vector<16xf32>
        %parallel_loop3A_324 = arith.mulf %parallel_loop3A_323, %parallel_loop3A_323 : vector<16xf32>
        %parallel_loop3A_325 = arith.addf %parallel_loop3A_304, %parallel_loop3A_324 : vector<16xf32>
        %parallel_loop3A_326 = arith.index_cast %parallel_loop3A_196 : i32 to index
        %parallel_loop3A_327 = arith.constant 96 : index
        %parallel_loop3A_328 = tpu.vector_load %arg8[%parallel_loop3A_326, %parallel_loop3A_327] {strides = array<i32>} : memref<64x128xf32, #tpu.memory_space<vmem>>, vector<16xf32>,
        %parallel_loop3A_329 = arith.index_cast %parallel_loop3A_196 : i32 to index
        %parallel_loop3A_330 = arith.constant 96 : index
        %parallel_loop3A_331 = tpu.vector_load %arg9[%parallel_loop3A_329, %parallel_loop3A_330] {strides = array<i32>} : memref<64x128xf32, #tpu.memory_space<vmem>>, vector<16xf32>,
        %parallel_loop3A_332 = arith.index_cast %parallel_loop3A_196 : i32 to index
        %parallel_loop3A_333 = arith.constant 96 : index
        %parallel_loop3A_334 = tpu.vector_load %arg10[%parallel_loop3A_332, %parallel_loop3A_333] {strides = array<i32>} : memref<64x128xf32, #tpu.memory_space<vmem>>, vector<16xf32>,
        %parallel_loop3A_335 = arith.index_cast %parallel_loop3A_196 : i32 to index
        %parallel_loop3A_336 = arith.constant 96 : index
        %parallel_loop3A_337 = tpu.vector_load %arg11[%parallel_loop3A_335, %parallel_loop3A_336] {strides = array<i32>} : memref<64x128xf32, #tpu.memory_space<vmem>>, vector<16xf32>,
        %parallel_loop3A_338 = arith.subf %parallel_loop3A_328, %parallel_loop3A_331 : vector<16xf32>
        %parallel_loop3A_339 = arith.mulf %parallel_loop3A_338, %parallel_loop3A_338 : vector<16xf32>
        %parallel_loop3A_340 = arith.addf %parallel_loop3A_319, %parallel_loop3A_339 : vector<16xf32>
        %parallel_loop3A_341 = arith.subf %parallel_loop3A_328, %parallel_loop3A_334 : vector<16xf32>
        %parallel_loop3A_342 = arith.mulf %parallel_loop3A_341, %parallel_loop3A_341 : vector<16xf32>
        %parallel_loop3A_343 = arith.addf %parallel_loop3A_322, %parallel_loop3A_342 : vector<16xf32>
        %parallel_loop3A_344 = arith.subf %parallel_loop3A_331, %parallel_loop3A_337 : vector<16xf32>
        %parallel_loop3A_345 = arith.mulf %parallel_loop3A_344, %parallel_loop3A_344 : vector<16xf32>
        %parallel_loop3A_346 = arith.addf %parallel_loop3A_325, %parallel_loop3A_345 : vector<16xf32>
        %parallel_loop3A_347 = arith.index_cast %parallel_loop3A_196 : i32 to index
        %parallel_loop3A_348 = arith.constant 112 : index
        %parallel_loop3A_349 = tpu.vector_load %arg8[%parallel_loop3A_347, %parallel_loop3A_348] {strides = array<i32>} : memref<64x128xf32, #tpu.memory_space<vmem>>, vector<16xf32>,
        %parallel_loop3A_350 = arith.index_cast %parallel_loop3A_196 : i32 to index
        %parallel_loop3A_351 = arith.constant 112 : index
        %parallel_loop3A_352 = tpu.vector_load %arg9[%parallel_loop3A_350, %parallel_loop3A_351] {strides = array<i32>} : memref<64x128xf32, #tpu.memory_space<vmem>>, vector<16xf32>,
        %parallel_loop3A_353 = arith.index_cast %parallel_loop3A_196 : i32 to index
        %parallel_loop3A_354 = arith.constant 112 : index
        %parallel_loop3A_355 = tpu.vector_load %arg10[%parallel_loop3A_353, %parallel_loop3A_354] {strides = array<i32>} : memref<64x128xf32, #tpu.memory_space<vmem>>, vector<16xf32>,
        %parallel_loop3A_356 = arith.index_cast %parallel_loop3A_196 : i32 to index
        %parallel_loop3A_357 = arith.constant 112 : index
        %parallel_loop3A_358 = tpu.vector_load %arg11[%parallel_loop3A_356, %parallel_loop3A_357] {strides = array<i32>} : memref<64x128xf32, #tpu.memory_space<vmem>>, vector<16xf32>,
        %parallel_loop3A_359 = arith.subf %parallel_loop3A_349, %parallel_loop3A_352 : vector<16xf32>
        %parallel_loop3A_360 = arith.mulf %parallel_loop3A_359, %parallel_loop3A_359 : vector<16xf32>
        %parallel_loop3A_361 = arith.addf %parallel_loop3A_340, %parallel_loop3A_360 : vector<16xf32>
        %parallel_loop3A_362 = arith.subf %parallel_loop3A_349, %parallel_loop3A_355 : vector<16xf32>
        %parallel_loop3A_363 = arith.mulf %parallel_loop3A_362, %parallel_loop3A_362 : vector<16xf32>
        %parallel_loop3A_364 = arith.addf %parallel_loop3A_343, %parallel_loop3A_363 : vector<16xf32>
        %parallel_loop3A_365 = arith.subf %parallel_loop3A_352, %parallel_loop3A_358 : vector<16xf32>
        %parallel_loop3A_366 = arith.mulf %parallel_loop3A_365, %parallel_loop3A_365 : vector<16xf32>
        %parallel_loop3A_367 = arith.addf %parallel_loop3A_346, %parallel_loop3A_366 : vector<16xf32>
        %parallel_loop3A_368 = arith.subf %parallel_loop3A_361, %parallel_loop3A_364 : vector<16xf32>
        %parallel_loop3A_369 = arith.constant true
        %parallel_loop3A_370 = vector.broadcast %parallel_loop3A_369 : i1 to vector<16xi1>
        %parallel_loop3A_371 = tpu.scan <sum>, %parallel_loop3A_368 masked %parallel_loop3A_370 : vector<16xf32>, vector<16xi1> -> vector<16xf32>
        %parallel_loop3A_372 = arith.subf %parallel_loop3A_361, %parallel_loop3A_367 : vector<16xf32>
        %parallel_loop3A_373 = arith.constant true
        %parallel_loop3A_374 = vector.broadcast %parallel_loop3A_373 : i1 to vector<16xi1>
        %parallel_loop3A_375 = tpu.scan <sum>, %parallel_loop3A_372 masked %parallel_loop3A_374 : vector<16xf32>, vector<16xi1> -> vector<16xf32>
        %parallel_loop3A_376 = arith.addf %parallel_loop3A_371, %broadcast_in_dim3A_3 : vector<16xf32>
        %parallel_loop3A_377 = arith.constant 0.000000e+00 : f32
        %parallel_loop3A_378 = vector.broadcast %parallel_loop3A_377 : f32 to vector<16xf32>
        %parallel_loop3A_379 = arith.maximumf %parallel_loop3A_376, %parallel_loop3A_378 : vector<16xf32>
        %parallel_loop3A_380 = arith.addf %parallel_loop3A_375, %broadcast_in_dim3A_3 : vector<16xf32>
        %parallel_loop3A_381 = arith.constant 0.000000e+00 : f32
        %parallel_loop3A_382 = vector.broadcast %parallel_loop3A_381 : f32 to vector<16xf32>
        %parallel_loop3A_383 = arith.maximumf %parallel_loop3A_380, %parallel_loop3A_382 : vector<16xf32>
        %parallel_loop3A_384 = arith.addf %parallel_loop3A_379, %parallel_loop3A_383 : vector<16xf32>
        %parallel_loop3A_385 = arith.constant 0.000000e+00 : f32
        %parallel_loop3A_386 = vector.broadcast %parallel_loop3A_385 : f32 to vector<16xf32>
        %parallel_loop3A_387 = arith.select %eq3A_7, %parallel_loop3A_384, %parallel_loop3A_386 : vector<16xi1>, vector<16xf32>
        %parallel_loop3A_388 = arith.addf %parallel_loop3A_197, %parallel_loop3A_387 : vector<16xf32>
        scf.yield %parallel_loop3A_388 : vector<16xf32>
      } {sc.loop_unroll_factor = 1 : i64, sc.parallel_access}
      %add3A_154 = arith.constant 2 : i32
      %add3A_155 = arith.addi %mul3A_75, %add3A_154 : i32
      %lt3A_156 = arith.constant 8 : i32
      %lt3A_157 = arith.cmpi slt, %add3A_155, %lt3A_156 : i32
      %convert_element_type3A_158 = arith.extui %lt3A_157 : i1 to i32
      %cond3A_159 = arith.constant 0 : i32
      %cond3A_160 = arith.cmpi ne, %convert_element_type3A_158, %cond3A_159 : i32
      scf.if %cond3A_160 {
        %dma_wait3A_196 = arith.constant 0 : i32
        %dma_wait3A_197 = tpu.memref_slice %arg4[%dma_wait3A_196] : memref<32768xi32, #tpu.memory_space<hbm>> -> memref<64xi32, #tpu.memory_space<hbm>>
        %dma_wait3A_198 = arith.constant 0 : i32
        %dma_wait3A_199 = tpu.memref_slice %arg4[%dma_wait3A_198] : memref<32768xi32, #tpu.memory_space<hbm>> -> memref<64xi32, #tpu.memory_space<hbm>>
        tpu.wait_dma2 semaphore(%arg19 : memref<!tpu.dma_semaphore, #tpu.memory_space<semaphore_mem>>) src(%dma_wait3A_199 : memref<64xi32, #tpu.memory_space<hbm>>) dst(%arg6 : memref<64xi32, #tpu.memory_space<vmem>>)
        %dma_wait3A_200 = arith.constant 0 : i32
        %dma_wait3A_201 = tpu.memref_slice %arg4[%dma_wait3A_200] : memref<32768xi32, #tpu.memory_space<hbm>> -> memref<64xi32, #tpu.memory_space<hbm>>
        %dma_wait3A_202 = arith.constant 0 : i32
        %dma_wait3A_203 = tpu.memref_slice %arg4[%dma_wait3A_202] : memref<32768xi32, #tpu.memory_space<hbm>> -> memref<64xi32, #tpu.memory_space<hbm>>
        tpu.wait_dma2 semaphore(%arg19 : memref<!tpu.dma_semaphore, #tpu.memory_space<semaphore_mem>>) src(%dma_wait3A_203 : memref<64xi32, #tpu.memory_space<hbm>>) dst(%arg7 : memref<64xi32, #tpu.memory_space<vmem>>)
        %add3A_204 = arith.constant 2 : i32
        %add3A_205 = arith.addi %mul3A_75, %add3A_204 : i32
        %mul3A_206 = arith.constant 64 : i32
        %mul3A_207 = arith.muli %add3A_205, %mul3A_206 : i32
        %add3A_208 = arith.addi %mul3A_2, %mul3A_207 : i32
        %dma_start3A_209 = arith.constant 0 : i32
        %dma_start3A_210 = arith.constant 0 : i32
        %dma_start3A_211 = tpu.memref_slice %arg2[%dma_start3A_209, %dma_start3A_210] : memref<16384x128xf32, #tpu.memory_space<hbm>> -> memref<16384x128xf32, #tpu.memory_space<hbm>>
        tpu.enqueue_indirect_dma source(%dma_start3A_211 : memref<16384x128xf32, #tpu.memory_space<hbm>>) target(%arg11 : memref<64x128xf32, #tpu.memory_space<vmem>>) offsets(%arg7 : memref<64xi32, #tpu.memory_space<vmem>>) semaphore(%arg21 : memref<!tpu.dma_semaphore, #tpu.memory_space<semaphore_mem>>)
        %dma_start3A_212 = arith.constant 0 : i32
        %dma_start3A_213 = tpu.memref_slice %arg2[%add3A_208, %dma_start3A_212] : memref<16384x128xf32, #tpu.memory_space<hbm>> -> memref<64x128xf32, #tpu.memory_space<hbm>>
        %dma_start3A_214 = arith.constant 0 : i32
        %dma_start3A_215 = tpu.memref_slice %arg2[%add3A_208, %dma_start3A_214] : memref<16384x128xf32, #tpu.memory_space<hbm>> -> memref<64x128xf32, #tpu.memory_space<hbm>>
        tpu.enqueue_dma source(%dma_start3A_215 : memref<64x128xf32, #tpu.memory_space<hbm>>) target(%arg8 : memref<64x128xf32, #tpu.memory_space<vmem>>) target_semaphore(%arg21 : memref<!tpu.dma_semaphore, #tpu.memory_space<semaphore_mem>>)
        %dma_start3A_216 = arith.constant 0 : i32
        %dma_start3A_217 = tpu.memref_slice %arg3[%add3A_208, %dma_start3A_216] : memref<16384x128xf32, #tpu.memory_space<hbm>> -> memref<64x128xf32, #tpu.memory_space<hbm>>
        %dma_start3A_218 = arith.constant 0 : i32
        %dma_start3A_219 = tpu.memref_slice %arg3[%add3A_208, %dma_start3A_218] : memref<16384x128xf32, #tpu.memory_space<hbm>> -> memref<64x128xf32, #tpu.memory_space<hbm>>
        tpu.enqueue_dma source(%dma_start3A_219 : memref<64x128xf32, #tpu.memory_space<hbm>>) target(%arg9 : memref<64x128xf32, #tpu.memory_space<vmem>>) target_semaphore(%arg21 : memref<!tpu.dma_semaphore, #tpu.memory_space<semaphore_mem>>)
        %get3A_220 = arith.constant 0 : index
        %get3A_221 = tpu.vector_load %arg6[%get3A_220] {strides = array<i32>} : memref<64xi32, #tpu.memory_space<vmem>>, vector<16xi32>,
        %sub3A_222 = arith.subi %get3A_221, %broadcast_in_dim3A_5 : vector<16xi32>
        %swap3A_223 = arith.constant 0 : index
        %swap3A_224 = tpu.vector_load %arg6[%swap3A_223] {strides = array<i32>} : memref<64xi32, #tpu.memory_space<vmem>>, vector<16xi32>,
        tpu.vector_store %arg6[%swap3A_223], %sub3A_222 {strides = array<i32>} : memref<64xi32, #tpu.memory_space<vmem>>, vector<16xi32>,
        %get3A_225 = arith.constant 16 : index
        %get3A_226 = tpu.vector_load %arg6[%get3A_225] {strides = array<i32>} : memref<64xi32, #tpu.memory_space<vmem>>, vector<16xi32>,
        %sub3A_227 = arith.subi %get3A_226, %broadcast_in_dim3A_5 : vector<16xi32>
        %swap3A_228 = arith.constant 16 : index
        %swap3A_229 = tpu.vector_load %arg6[%swap3A_228] {strides = array<i32>} : memref<64xi32, #tpu.memory_space<vmem>>, vector<16xi32>,
        tpu.vector_store %arg6[%swap3A_228], %sub3A_227 {strides = array<i32>} : memref<64xi32, #tpu.memory_space<vmem>>, vector<16xi32>,
        %get3A_230 = arith.constant 32 : index
        %get3A_231 = tpu.vector_load %arg6[%get3A_230] {strides = array<i32>} : memref<64xi32, #tpu.memory_space<vmem>>, vector<16xi32>,
        %sub3A_232 = arith.subi %get3A_231, %broadcast_in_dim3A_5 : vector<16xi32>
        %swap3A_233 = arith.constant 32 : index
        %swap3A_234 = tpu.vector_load %arg6[%swap3A_233] {strides = array<i32>} : memref<64xi32, #tpu.memory_space<vmem>>, vector<16xi32>,
        tpu.vector_store %arg6[%swap3A_233], %sub3A_232 {strides = array<i32>} : memref<64xi32, #tpu.memory_space<vmem>>, vector<16xi32>,
        %get3A_235 = arith.constant 48 : index
        %get3A_236 = tpu.vector_load %arg6[%get3A_235] {strides = array<i32>} : memref<64xi32, #tpu.memory_space<vmem>>, vector<16xi32>,
        %sub3A_237 = arith.subi %get3A_236, %broadcast_in_dim3A_5 : vector<16xi32>
        %swap3A_238 = arith.constant 48 : index
        %swap3A_239 = tpu.vector_load %arg6[%swap3A_238] {strides = array<i32>} : memref<64xi32, #tpu.memory_space<vmem>>, vector<16xi32>,
        tpu.vector_store %arg6[%swap3A_238], %sub3A_237 {strides = array<i32>} : memref<64xi32, #tpu.memory_space<vmem>>, vector<16xi32>,
        %dma_start3A_240 = arith.constant 0 : i32
        %dma_start3A_241 = arith.constant 0 : i32
        %dma_start3A_242 = tpu.memref_slice %arg3[%dma_start3A_240, %dma_start3A_241] : memref<16384x128xf32, #tpu.memory_space<hbm>> -> memref<16384x128xf32, #tpu.memory_space<hbm>>
        tpu.enqueue_indirect_dma source(%dma_start3A_242 : memref<16384x128xf32, #tpu.memory_space<hbm>>) target(%arg10 : memref<64x128xf32, #tpu.memory_space<vmem>>) offsets(%arg6 : memref<64xi32, #tpu.memory_space<vmem>>) semaphore(%arg21 : memref<!tpu.dma_semaphore, #tpu.memory_space<semaphore_mem>>)
      } else {
      }
      %dma_wait3A_161 = arith.constant 0 : i32
      %dma_wait3A_162 = arith.constant 0 : i32
      %dma_wait3A_163 = tpu.memref_slice %arg2[%dma_wait3A_161, %dma_wait3A_162] : memref<16384x128xf32, #tpu.memory_space<hbm>> -> memref<64x128xf32, #tpu.memory_space<hbm>>
      %dma_wait3A_164 = arith.constant 0 : i32
      %dma_wait3A_165 = arith.constant 0 : i32
      %dma_wait3A_166 = tpu.memref_slice %arg2[%dma_wait3A_164, %dma_wait3A_165] : memref<16384x128xf32, #tpu.memory_space<hbm>> -> memref<64x128xf32, #tpu.memory_space<hbm>>
      tpu.wait_dma2 semaphore(%arg22 : memref<!tpu.dma_semaphore, #tpu.memory_space<semaphore_mem>>) src(%dma_wait3A_166 : memref<64x128xf32, #tpu.memory_space<hbm>>) dst(%arg14 : memref<64x128xf32, #tpu.memory_space<vmem>>)
      %dma_wait3A_167 = arith.constant 0 : i32
      %dma_wait3A_168 = arith.constant 0 : i32
      %dma_wait3A_169 = tpu.memref_slice %arg3[%dma_wait3A_167, %dma_wait3A_168] : memref<16384x128xf32, #tpu.memory_space<hbm>> -> memref<64x128xf32, #tpu.memory_space<hbm>>
      %dma_wait3A_170 = arith.constant 0 : i32
      %dma_wait3A_171 = arith.constant 0 : i32
      %dma_wait3A_172 = tpu.memref_slice %arg3[%dma_wait3A_170, %dma_wait3A_171] : memref<16384x128xf32, #tpu.memory_space<hbm>> -> memref<64x128xf32, #tpu.memory_space<hbm>>
      tpu.wait_dma2 semaphore(%arg22 : memref<!tpu.dma_semaphore, #tpu.memory_space<semaphore_mem>>) src(%dma_wait3A_172 : memref<64x128xf32, #tpu.memory_space<hbm>>) dst(%arg15 : memref<64x128xf32, #tpu.memory_space<vmem>>)
      %dma_wait3A_173 = arith.constant 0 : i32
      %dma_wait3A_174 = arith.constant 0 : i32
      %dma_wait3A_175 = tpu.memref_slice %arg3[%dma_wait3A_173, %dma_wait3A_174] : memref<16384x128xf32, #tpu.memory_space<hbm>> -> memref<64x128xf32, #tpu.memory_space<hbm>>
      %dma_wait3A_176 = arith.constant 0 : i32
      %dma_wait3A_177 = arith.constant 0 : i32
      %dma_wait3A_178 = tpu.memref_slice %arg3[%dma_wait3A_176, %dma_wait3A_177] : memref<16384x128xf32, #tpu.memory_space<hbm>> -> memref<64x128xf32, #tpu.memory_space<hbm>>
      tpu.wait_dma2 semaphore(%arg22 : memref<!tpu.dma_semaphore, #tpu.memory_space<semaphore_mem>>) src(%dma_wait3A_178 : memref<64x128xf32, #tpu.memory_space<hbm>>) dst(%arg16 : memref<64x128xf32, #tpu.memory_space<vmem>>)
      %dma_wait3A_179 = arith.constant 0 : i32
      %dma_wait3A_180 = arith.constant 0 : i32
      %dma_wait3A_181 = tpu.memref_slice %arg2[%dma_wait3A_179, %dma_wait3A_180] : memref<16384x128xf32, #tpu.memory_space<hbm>> -> memref<64x128xf32, #tpu.memory_space<hbm>>
      %dma_wait3A_182 = arith.constant 0 : i32
      %dma_wait3A_183 = arith.constant 0 : i32
      %dma_wait3A_184 = tpu.memref_slice %arg2[%dma_wait3A_182, %dma_wait3A_183] : memref<16384x128xf32, #tpu.memory_space<hbm>> -> memref<64x128xf32, #tpu.memory_space<hbm>>
      tpu.wait_dma2 semaphore(%arg22 : memref<!tpu.dma_semaphore, #tpu.memory_space<semaphore_mem>>) src(%dma_wait3A_184 : memref<64x128xf32, #tpu.memory_space<hbm>>) dst(%arg17 : memref<64x128xf32, #tpu.memory_space<vmem>>)
      %add3A_185 = arith.constant 3 : i32
      %add3A_186 = arith.addi %mul3A_75, %add3A_185 : i32
      %lt3A_187 = arith.constant 8 : i32
      %lt3A_188 = arith.cmpi slt, %add3A_186, %lt3A_187 : i32
      %convert_element_type3A_189 = arith.extui %lt3A_188 : i1 to i32
      %cond3A_190 = arith.constant 0 : i32
      %cond3A_191 = arith.cmpi ne, %convert_element_type3A_189, %cond3A_190 : i32
      scf.if %cond3A_191 {
        %add3A_196 = arith.constant 3 : i32
        %add3A_197 = arith.addi %mul3A_75, %add3A_196 : i32
        %mul3A_198 = arith.constant 64 : i32
        %mul3A_199 = arith.muli %add3A_197, %mul3A_198 : i32
        %add3A_200 = arith.addi %mul3A_2, %mul3A_199 : i32
        %dma_start3A_201 = tpu.memref_slice %arg4[%add3A_200] : memref<32768xi32, #tpu.memory_space<hbm>> -> memref<64xi32, #tpu.memory_space<hbm>>
        %dma_start3A_202 = tpu.memref_slice %arg4[%add3A_200] : memref<32768xi32, #tpu.memory_space<hbm>> -> memref<64xi32, #tpu.memory_space<hbm>>
        tpu.enqueue_dma source(%dma_start3A_202 : memref<64xi32, #tpu.memory_space<hbm>>) target(%arg12 : memref<64xi32, #tpu.memory_space<vmem>>) target_semaphore(%arg20 : memref<!tpu.dma_semaphore, #tpu.memory_space<semaphore_mem>>)
        %add3A_203 = arith.constant 16384 : i32
        %add3A_204 = arith.addi %add3A_203, %add3A_200 : i32
        %dma_start3A_205 = tpu.memref_slice %arg4[%add3A_204] : memref<32768xi32, #tpu.memory_space<hbm>> -> memref<64xi32, #tpu.memory_space<hbm>>
        %dma_start3A_206 = tpu.memref_slice %arg4[%add3A_204] : memref<32768xi32, #tpu.memory_space<hbm>> -> memref<64xi32, #tpu.memory_space<hbm>>
        tpu.enqueue_dma source(%dma_start3A_206 : memref<64xi32, #tpu.memory_space<hbm>>) target(%arg13 : memref<64xi32, #tpu.memory_space<vmem>>) target_semaphore(%arg20 : memref<!tpu.dma_semaphore, #tpu.memory_space<semaphore_mem>>)
      } else {
      }
      %parallel_loop3A_192 = arith.constant 0 : i32
      %parallel_loop3A_193 = arith.constant 64 : i32
      %parallel_loop3A_194 = arith.constant 1 : i32
      %parallel_loop3A_195 = scf.for %parallel_loop3A_196 = %parallel_loop3A_192 to %parallel_loop3A_193 step %parallel_loop3A_194 iter_args(%parallel_loop3A_197 = %parallel_loop3A_153) -> (vector<16xf32>)  : i32 {
        %parallel_loop3A_198 = arith.constant 0.000000e+00 : f32
        %parallel_loop3A_199 = vector.broadcast %parallel_loop3A_198 : f32 to vector<16xf32>
        %parallel_loop3A_200 = arith.index_cast %parallel_loop3A_196 : i32 to index
        %parallel_loop3A_201 = arith.constant 0 : index
        %parallel_loop3A_202 = tpu.vector_load %arg14[%parallel_loop3A_200, %parallel_loop3A_201] {strides = array<i32>} : memref<64x128xf32, #tpu.memory_space<vmem>>, vector<16xf32>,
        %parallel_loop3A_203 = arith.index_cast %parallel_loop3A_196 : i32 to index
        %parallel_loop3A_204 = arith.constant 0 : index
        %parallel_loop3A_205 = tpu.vector_load %arg15[%parallel_loop3A_203, %parallel_loop3A_204] {strides = array<i32>} : memref<64x128xf32, #tpu.memory_space<vmem>>, vector<16xf32>,
        %parallel_loop3A_206 = arith.index_cast %parallel_loop3A_196 : i32 to index
        %parallel_loop3A_207 = arith.constant 0 : index
        %parallel_loop3A_208 = tpu.vector_load %arg16[%parallel_loop3A_206, %parallel_loop3A_207] {strides = array<i32>} : memref<64x128xf32, #tpu.memory_space<vmem>>, vector<16xf32>,
        %parallel_loop3A_209 = arith.index_cast %parallel_loop3A_196 : i32 to index
        %parallel_loop3A_210 = arith.constant 0 : index
        %parallel_loop3A_211 = tpu.vector_load %arg17[%parallel_loop3A_209, %parallel_loop3A_210] {strides = array<i32>} : memref<64x128xf32, #tpu.memory_space<vmem>>, vector<16xf32>,
        %parallel_loop3A_212 = arith.subf %parallel_loop3A_202, %parallel_loop3A_205 : vector<16xf32>
        %parallel_loop3A_213 = arith.mulf %parallel_loop3A_212, %parallel_loop3A_212 : vector<16xf32>
        %parallel_loop3A_214 = arith.addf %parallel_loop3A_199, %parallel_loop3A_213 : vector<16xf32>
        %parallel_loop3A_215 = arith.subf %parallel_loop3A_202, %parallel_loop3A_208 : vector<16xf32>
        %parallel_loop3A_216 = arith.mulf %parallel_loop3A_215, %parallel_loop3A_215 : vector<16xf32>
        %parallel_loop3A_217 = arith.addf %parallel_loop3A_199, %parallel_loop3A_216 : vector<16xf32>
        %parallel_loop3A_218 = arith.subf %parallel_loop3A_205, %parallel_loop3A_211 : vector<16xf32>
        %parallel_loop3A_219 = arith.mulf %parallel_loop3A_218, %parallel_loop3A_218 : vector<16xf32>
        %parallel_loop3A_220 = arith.addf %parallel_loop3A_199, %parallel_loop3A_219 : vector<16xf32>
        %parallel_loop3A_221 = arith.index_cast %parallel_loop3A_196 : i32 to index
        %parallel_loop3A_222 = arith.constant 16 : index
        %parallel_loop3A_223 = tpu.vector_load %arg14[%parallel_loop3A_221, %parallel_loop3A_222] {strides = array<i32>} : memref<64x128xf32, #tpu.memory_space<vmem>>, vector<16xf32>,
        %parallel_loop3A_224 = arith.index_cast %parallel_loop3A_196 : i32 to index
        %parallel_loop3A_225 = arith.constant 16 : index
        %parallel_loop3A_226 = tpu.vector_load %arg15[%parallel_loop3A_224, %parallel_loop3A_225] {strides = array<i32>} : memref<64x128xf32, #tpu.memory_space<vmem>>, vector<16xf32>,
        %parallel_loop3A_227 = arith.index_cast %parallel_loop3A_196 : i32 to index
        %parallel_loop3A_228 = arith.constant 16 : index
        %parallel_loop3A_229 = tpu.vector_load %arg16[%parallel_loop3A_227, %parallel_loop3A_228] {strides = array<i32>} : memref<64x128xf32, #tpu.memory_space<vmem>>, vector<16xf32>,
        %parallel_loop3A_230 = arith.index_cast %parallel_loop3A_196 : i32 to index
        %parallel_loop3A_231 = arith.constant 16 : index
        %parallel_loop3A_232 = tpu.vector_load %arg17[%parallel_loop3A_230, %parallel_loop3A_231] {strides = array<i32>} : memref<64x128xf32, #tpu.memory_space<vmem>>, vector<16xf32>,
        %parallel_loop3A_233 = arith.subf %parallel_loop3A_223, %parallel_loop3A_226 : vector<16xf32>
        %parallel_loop3A_234 = arith.mulf %parallel_loop3A_233, %parallel_loop3A_233 : vector<16xf32>
        %parallel_loop3A_235 = arith.addf %parallel_loop3A_214, %parallel_loop3A_234 : vector<16xf32>
        %parallel_loop3A_236 = arith.subf %parallel_loop3A_223, %parallel_loop3A_229 : vector<16xf32>
        %parallel_loop3A_237 = arith.mulf %parallel_loop3A_236, %parallel_loop3A_236 : vector<16xf32>
        %parallel_loop3A_238 = arith.addf %parallel_loop3A_217, %parallel_loop3A_237 : vector<16xf32>
        %parallel_loop3A_239 = arith.subf %parallel_loop3A_226, %parallel_loop3A_232 : vector<16xf32>
        %parallel_loop3A_240 = arith.mulf %parallel_loop3A_239, %parallel_loop3A_239 : vector<16xf32>
        %parallel_loop3A_241 = arith.addf %parallel_loop3A_220, %parallel_loop3A_240 : vector<16xf32>
        %parallel_loop3A_242 = arith.index_cast %parallel_loop3A_196 : i32 to index
        %parallel_loop3A_243 = arith.constant 32 : index
        %parallel_loop3A_244 = tpu.vector_load %arg14[%parallel_loop3A_242, %parallel_loop3A_243] {strides = array<i32>} : memref<64x128xf32, #tpu.memory_space<vmem>>, vector<16xf32>,
        %parallel_loop3A_245 = arith.index_cast %parallel_loop3A_196 : i32 to index
        %parallel_loop3A_246 = arith.constant 32 : index
        %parallel_loop3A_247 = tpu.vector_load %arg15[%parallel_loop3A_245, %parallel_loop3A_246] {strides = array<i32>} : memref<64x128xf32, #tpu.memory_space<vmem>>, vector<16xf32>,
        %parallel_loop3A_248 = arith.index_cast %parallel_loop3A_196 : i32 to index
        %parallel_loop3A_249 = arith.constant 32 : index
        %parallel_loop3A_250 = tpu.vector_load %arg16[%parallel_loop3A_248, %parallel_loop3A_249] {strides = array<i32>} : memref<64x128xf32, #tpu.memory_space<vmem>>, vector<16xf32>,
        %parallel_loop3A_251 = arith.index_cast %parallel_loop3A_196 : i32 to index
        %parallel_loop3A_252 = arith.constant 32 : index
        %parallel_loop3A_253 = tpu.vector_load %arg17[%parallel_loop3A_251, %parallel_loop3A_252] {strides = array<i32>} : memref<64x128xf32, #tpu.memory_space<vmem>>, vector<16xf32>,
        %parallel_loop3A_254 = arith.subf %parallel_loop3A_244, %parallel_loop3A_247 : vector<16xf32>
        %parallel_loop3A_255 = arith.mulf %parallel_loop3A_254, %parallel_loop3A_254 : vector<16xf32>
        %parallel_loop3A_256 = arith.addf %parallel_loop3A_235, %parallel_loop3A_255 : vector<16xf32>
        %parallel_loop3A_257 = arith.subf %parallel_loop3A_244, %parallel_loop3A_250 : vector<16xf32>
        %parallel_loop3A_258 = arith.mulf %parallel_loop3A_257, %parallel_loop3A_257 : vector<16xf32>
        %parallel_loop3A_259 = arith.addf %parallel_loop3A_238, %parallel_loop3A_258 : vector<16xf32>
        %parallel_loop3A_260 = arith.subf %parallel_loop3A_247, %parallel_loop3A_253 : vector<16xf32>
        %parallel_loop3A_261 = arith.mulf %parallel_loop3A_260, %parallel_loop3A_260 : vector<16xf32>
        %parallel_loop3A_262 = arith.addf %parallel_loop3A_241, %parallel_loop3A_261 : vector<16xf32>
        %parallel_loop3A_263 = arith.index_cast %parallel_loop3A_196 : i32 to index
        %parallel_loop3A_264 = arith.constant 48 : index
        %parallel_loop3A_265 = tpu.vector_load %arg14[%parallel_loop3A_263, %parallel_loop3A_264] {strides = array<i32>} : memref<64x128xf32, #tpu.memory_space<vmem>>, vector<16xf32>,
        %parallel_loop3A_266 = arith.index_cast %parallel_loop3A_196 : i32 to index
        %parallel_loop3A_267 = arith.constant 48 : index
        %parallel_loop3A_268 = tpu.vector_load %arg15[%parallel_loop3A_266, %parallel_loop3A_267] {strides = array<i32>} : memref<64x128xf32, #tpu.memory_space<vmem>>, vector<16xf32>,
        %parallel_loop3A_269 = arith.index_cast %parallel_loop3A_196 : i32 to index
        %parallel_loop3A_270 = arith.constant 48 : index
        %parallel_loop3A_271 = tpu.vector_load %arg16[%parallel_loop3A_269, %parallel_loop3A_270] {strides = array<i32>} : memref<64x128xf32, #tpu.memory_space<vmem>>, vector<16xf32>,
        %parallel_loop3A_272 = arith.index_cast %parallel_loop3A_196 : i32 to index
        %parallel_loop3A_273 = arith.constant 48 : index
        %parallel_loop3A_274 = tpu.vector_load %arg17[%parallel_loop3A_272, %parallel_loop3A_273] {strides = array<i32>} : memref<64x128xf32, #tpu.memory_space<vmem>>, vector<16xf32>,
        %parallel_loop3A_275 = arith.subf %parallel_loop3A_265, %parallel_loop3A_268 : vector<16xf32>
        %parallel_loop3A_276 = arith.mulf %parallel_loop3A_275, %parallel_loop3A_275 : vector<16xf32>
        %parallel_loop3A_277 = arith.addf %parallel_loop3A_256, %parallel_loop3A_276 : vector<16xf32>
        %parallel_loop3A_278 = arith.subf %parallel_loop3A_265, %parallel_loop3A_271 : vector<16xf32>
        %parallel_loop3A_279 = arith.mulf %parallel_loop3A_278, %parallel_loop3A_278 : vector<16xf32>
        %parallel_loop3A_280 = arith.addf %parallel_loop3A_259, %parallel_loop3A_279 : vector<16xf32>
        %parallel_loop3A_281 = arith.subf %parallel_loop3A_268, %parallel_loop3A_274 : vector<16xf32>
        %parallel_loop3A_282 = arith.mulf %parallel_loop3A_281, %parallel_loop3A_281 : vector<16xf32>
        %parallel_loop3A_283 = arith.addf %parallel_loop3A_262, %parallel_loop3A_282 : vector<16xf32>
        %parallel_loop3A_284 = arith.index_cast %parallel_loop3A_196 : i32 to index
        %parallel_loop3A_285 = arith.constant 64 : index
        %parallel_loop3A_286 = tpu.vector_load %arg14[%parallel_loop3A_284, %parallel_loop3A_285] {strides = array<i32>} : memref<64x128xf32, #tpu.memory_space<vmem>>, vector<16xf32>,
        %parallel_loop3A_287 = arith.index_cast %parallel_loop3A_196 : i32 to index
        %parallel_loop3A_288 = arith.constant 64 : index
        %parallel_loop3A_289 = tpu.vector_load %arg15[%parallel_loop3A_287, %parallel_loop3A_288] {strides = array<i32>} : memref<64x128xf32, #tpu.memory_space<vmem>>, vector<16xf32>,
        %parallel_loop3A_290 = arith.index_cast %parallel_loop3A_196 : i32 to index
        %parallel_loop3A_291 = arith.constant 64 : index
        %parallel_loop3A_292 = tpu.vector_load %arg16[%parallel_loop3A_290, %parallel_loop3A_291] {strides = array<i32>} : memref<64x128xf32, #tpu.memory_space<vmem>>, vector<16xf32>,
        %parallel_loop3A_293 = arith.index_cast %parallel_loop3A_196 : i32 to index
        %parallel_loop3A_294 = arith.constant 64 : index
        %parallel_loop3A_295 = tpu.vector_load %arg17[%parallel_loop3A_293, %parallel_loop3A_294] {strides = array<i32>} : memref<64x128xf32, #tpu.memory_space<vmem>>, vector<16xf32>,
        %parallel_loop3A_296 = arith.subf %parallel_loop3A_286, %parallel_loop3A_289 : vector<16xf32>
        %parallel_loop3A_297 = arith.mulf %parallel_loop3A_296, %parallel_loop3A_296 : vector<16xf32>
        %parallel_loop3A_298 = arith.addf %parallel_loop3A_277, %parallel_loop3A_297 : vector<16xf32>
        %parallel_loop3A_299 = arith.subf %parallel_loop3A_286, %parallel_loop3A_292 : vector<16xf32>
        %parallel_loop3A_300 = arith.mulf %parallel_loop3A_299, %parallel_loop3A_299 : vector<16xf32>
        %parallel_loop3A_301 = arith.addf %parallel_loop3A_280, %parallel_loop3A_300 : vector<16xf32>
        %parallel_loop3A_302 = arith.subf %parallel_loop3A_289, %parallel_loop3A_295 : vector<16xf32>
        %parallel_loop3A_303 = arith.mulf %parallel_loop3A_302, %parallel_loop3A_302 : vector<16xf32>
        %parallel_loop3A_304 = arith.addf %parallel_loop3A_283, %parallel_loop3A_303 : vector<16xf32>
        %parallel_loop3A_305 = arith.index_cast %parallel_loop3A_196 : i32 to index
        %parallel_loop3A_306 = arith.constant 80 : index
        %parallel_loop3A_307 = tpu.vector_load %arg14[%parallel_loop3A_305, %parallel_loop3A_306] {strides = array<i32>} : memref<64x128xf32, #tpu.memory_space<vmem>>, vector<16xf32>,
        %parallel_loop3A_308 = arith.index_cast %parallel_loop3A_196 : i32 to index
        %parallel_loop3A_309 = arith.constant 80 : index
        %parallel_loop3A_310 = tpu.vector_load %arg15[%parallel_loop3A_308, %parallel_loop3A_309] {strides = array<i32>} : memref<64x128xf32, #tpu.memory_space<vmem>>, vector<16xf32>,
        %parallel_loop3A_311 = arith.index_cast %parallel_loop3A_196 : i32 to index
        %parallel_loop3A_312 = arith.constant 80 : index
        %parallel_loop3A_313 = tpu.vector_load %arg16[%parallel_loop3A_311, %parallel_loop3A_312] {strides = array<i32>} : memref<64x128xf32, #tpu.memory_space<vmem>>, vector<16xf32>,
        %parallel_loop3A_314 = arith.index_cast %parallel_loop3A_196 : i32 to index
        %parallel_loop3A_315 = arith.constant 80 : index
        %parallel_loop3A_316 = tpu.vector_load %arg17[%parallel_loop3A_314, %parallel_loop3A_315] {strides = array<i32>} : memref<64x128xf32, #tpu.memory_space<vmem>>, vector<16xf32>,
        %parallel_loop3A_317 = arith.subf %parallel_loop3A_307, %parallel_loop3A_310 : vector<16xf32>
        %parallel_loop3A_318 = arith.mulf %parallel_loop3A_317, %parallel_loop3A_317 : vector<16xf32>
        %parallel_loop3A_319 = arith.addf %parallel_loop3A_298, %parallel_loop3A_318 : vector<16xf32>
        %parallel_loop3A_320 = arith.subf %parallel_loop3A_307, %parallel_loop3A_313 : vector<16xf32>
        %parallel_loop3A_321 = arith.mulf %parallel_loop3A_320, %parallel_loop3A_320 : vector<16xf32>
        %parallel_loop3A_322 = arith.addf %parallel_loop3A_301, %parallel_loop3A_321 : vector<16xf32>
        %parallel_loop3A_323 = arith.subf %parallel_loop3A_310, %parallel_loop3A_316 : vector<16xf32>
        %parallel_loop3A_324 = arith.mulf %parallel_loop3A_323, %parallel_loop3A_323 : vector<16xf32>
        %parallel_loop3A_325 = arith.addf %parallel_loop3A_304, %parallel_loop3A_324 : vector<16xf32>
        %parallel_loop3A_326 = arith.index_cast %parallel_loop3A_196 : i32 to index
        %parallel_loop3A_327 = arith.constant 96 : index
        %parallel_loop3A_328 = tpu.vector_load %arg14[%parallel_loop3A_326, %parallel_loop3A_327] {strides = array<i32>} : memref<64x128xf32, #tpu.memory_space<vmem>>, vector<16xf32>,
        %parallel_loop3A_329 = arith.index_cast %parallel_loop3A_196 : i32 to index
        %parallel_loop3A_330 = arith.constant 96 : index
        %parallel_loop3A_331 = tpu.vector_load %arg15[%parallel_loop3A_329, %parallel_loop3A_330] {strides = array<i32>} : memref<64x128xf32, #tpu.memory_space<vmem>>, vector<16xf32>,
        %parallel_loop3A_332 = arith.index_cast %parallel_loop3A_196 : i32 to index
        %parallel_loop3A_333 = arith.constant 96 : index
        %parallel_loop3A_334 = tpu.vector_load %arg16[%parallel_loop3A_332, %parallel_loop3A_333] {strides = array<i32>} : memref<64x128xf32, #tpu.memory_space<vmem>>, vector<16xf32>,
        %parallel_loop3A_335 = arith.index_cast %parallel_loop3A_196 : i32 to index
        %parallel_loop3A_336 = arith.constant 96 : index
        %parallel_loop3A_337 = tpu.vector_load %arg17[%parallel_loop3A_335, %parallel_loop3A_336] {strides = array<i32>} : memref<64x128xf32, #tpu.memory_space<vmem>>, vector<16xf32>,
        %parallel_loop3A_338 = arith.subf %parallel_loop3A_328, %parallel_loop3A_331 : vector<16xf32>
        %parallel_loop3A_339 = arith.mulf %parallel_loop3A_338, %parallel_loop3A_338 : vector<16xf32>
        %parallel_loop3A_340 = arith.addf %parallel_loop3A_319, %parallel_loop3A_339 : vector<16xf32>
        %parallel_loop3A_341 = arith.subf %parallel_loop3A_328, %parallel_loop3A_334 : vector<16xf32>
        %parallel_loop3A_342 = arith.mulf %parallel_loop3A_341, %parallel_loop3A_341 : vector<16xf32>
        %parallel_loop3A_343 = arith.addf %parallel_loop3A_322, %parallel_loop3A_342 : vector<16xf32>
        %parallel_loop3A_344 = arith.subf %parallel_loop3A_331, %parallel_loop3A_337 : vector<16xf32>
        %parallel_loop3A_345 = arith.mulf %parallel_loop3A_344, %parallel_loop3A_344 : vector<16xf32>
        %parallel_loop3A_346 = arith.addf %parallel_loop3A_325, %parallel_loop3A_345 : vector<16xf32>
        %parallel_loop3A_347 = arith.index_cast %parallel_loop3A_196 : i32 to index
        %parallel_loop3A_348 = arith.constant 112 : index
        %parallel_loop3A_349 = tpu.vector_load %arg14[%parallel_loop3A_347, %parallel_loop3A_348] {strides = array<i32>} : memref<64x128xf32, #tpu.memory_space<vmem>>, vector<16xf32>,
        %parallel_loop3A_350 = arith.index_cast %parallel_loop3A_196 : i32 to index
        %parallel_loop3A_351 = arith.constant 112 : index
        %parallel_loop3A_352 = tpu.vector_load %arg15[%parallel_loop3A_350, %parallel_loop3A_351] {strides = array<i32>} : memref<64x128xf32, #tpu.memory_space<vmem>>, vector<16xf32>,
        %parallel_loop3A_353 = arith.index_cast %parallel_loop3A_196 : i32 to index
        %parallel_loop3A_354 = arith.constant 112 : index
        %parallel_loop3A_355 = tpu.vector_load %arg16[%parallel_loop3A_353, %parallel_loop3A_354] {strides = array<i32>} : memref<64x128xf32, #tpu.memory_space<vmem>>, vector<16xf32>,
        %parallel_loop3A_356 = arith.index_cast %parallel_loop3A_196 : i32 to index
        %parallel_loop3A_357 = arith.constant 112 : index
        %parallel_loop3A_358 = tpu.vector_load %arg17[%parallel_loop3A_356, %parallel_loop3A_357] {strides = array<i32>} : memref<64x128xf32, #tpu.memory_space<vmem>>, vector<16xf32>,
        %parallel_loop3A_359 = arith.subf %parallel_loop3A_349, %parallel_loop3A_352 : vector<16xf32>
        %parallel_loop3A_360 = arith.mulf %parallel_loop3A_359, %parallel_loop3A_359 : vector<16xf32>
        %parallel_loop3A_361 = arith.addf %parallel_loop3A_340, %parallel_loop3A_360 : vector<16xf32>
        %parallel_loop3A_362 = arith.subf %parallel_loop3A_349, %parallel_loop3A_355 : vector<16xf32>
        %parallel_loop3A_363 = arith.mulf %parallel_loop3A_362, %parallel_loop3A_362 : vector<16xf32>
        %parallel_loop3A_364 = arith.addf %parallel_loop3A_343, %parallel_loop3A_363 : vector<16xf32>
        %parallel_loop3A_365 = arith.subf %parallel_loop3A_352, %parallel_loop3A_358 : vector<16xf32>
        %parallel_loop3A_366 = arith.mulf %parallel_loop3A_365, %parallel_loop3A_365 : vector<16xf32>
        %parallel_loop3A_367 = arith.addf %parallel_loop3A_346, %parallel_loop3A_366 : vector<16xf32>
        %parallel_loop3A_368 = arith.subf %parallel_loop3A_361, %parallel_loop3A_364 : vector<16xf32>
        %parallel_loop3A_369 = arith.constant true
        %parallel_loop3A_370 = vector.broadcast %parallel_loop3A_369 : i1 to vector<16xi1>
        %parallel_loop3A_371 = tpu.scan <sum>, %parallel_loop3A_368 masked %parallel_loop3A_370 : vector<16xf32>, vector<16xi1> -> vector<16xf32>
        %parallel_loop3A_372 = arith.subf %parallel_loop3A_361, %parallel_loop3A_367 : vector<16xf32>
        %parallel_loop3A_373 = arith.constant true
        %parallel_loop3A_374 = vector.broadcast %parallel_loop3A_373 : i1 to vector<16xi1>
        %parallel_loop3A_375 = tpu.scan <sum>, %parallel_loop3A_372 masked %parallel_loop3A_374 : vector<16xf32>, vector<16xi1> -> vector<16xf32>
        %parallel_loop3A_376 = arith.addf %parallel_loop3A_371, %broadcast_in_dim3A_3 : vector<16xf32>
        %parallel_loop3A_377 = arith.constant 0.000000e+00 : f32
        %parallel_loop3A_378 = vector.broadcast %parallel_loop3A_377 : f32 to vector<16xf32>
        %parallel_loop3A_379 = arith.maximumf %parallel_loop3A_376, %parallel_loop3A_378 : vector<16xf32>
        %parallel_loop3A_380 = arith.addf %parallel_loop3A_375, %broadcast_in_dim3A_3 : vector<16xf32>
        %parallel_loop3A_381 = arith.constant 0.000000e+00 : f32
        %parallel_loop3A_382 = vector.broadcast %parallel_loop3A_381 : f32 to vector<16xf32>
        %parallel_loop3A_383 = arith.maximumf %parallel_loop3A_380, %parallel_loop3A_382 : vector<16xf32>
        %parallel_loop3A_384 = arith.addf %parallel_loop3A_379, %parallel_loop3A_383 : vector<16xf32>
        %parallel_loop3A_385 = arith.constant 0.000000e+00 : f32
        %parallel_loop3A_386 = vector.broadcast %parallel_loop3A_385 : f32 to vector<16xf32>
        %parallel_loop3A_387 = arith.select %eq3A_7, %parallel_loop3A_384, %parallel_loop3A_386 : vector<16xi1>, vector<16xf32>
        %parallel_loop3A_388 = arith.addf %parallel_loop3A_197, %parallel_loop3A_387 : vector<16xf32>
        scf.yield %parallel_loop3A_388 : vector<16xf32>
      } {sc.loop_unroll_factor = 1 : i64, sc.parallel_access}
      scf.yield %parallel_loop3A_195 : vector<16xf32>
    }
    %scan3A_69 = arith.constant 4 : i32
    %swap3A_70 = arith.constant 0 : index
    %swap3A_71 = tpu.vector_load %arg18[%swap3A_70] {strides = array<i32>} : memref<16xf32, #tpu.memory_space<vmem>>, vector<16xf32>,
    tpu.vector_store %arg18[%swap3A_70], %scan3A_68 {strides = array<i32>} : memref<16xf32, #tpu.memory_space<vmem>>, vector<16xf32>,
    "tpu.region"() ({
      %run_scoped3A = tpu.sem_alloc : memref<!tpu.dma_semaphore, #tpu.memory_space<semaphore_mem>>
      %dma_start3A_72 = arith.constant 0 : i32
      %dma_start3A_73 = tpu.memref_slice %arg5[%add3A, %dma_start3A_72] : memref<32x16xf32, #tpu.memory_space<hbm>> -> memref<1x16xf32, #tpu.memory_space<hbm>>
      %dma_start3A_74 = tpu.memref_squeeze %dma_start3A_73 : memref<1x16xf32, #tpu.memory_space<hbm>> -> memref<16xf32, #tpu.memory_space<hbm>>
      %dma_start3A_75 = arith.constant 0 : i32
      %dma_start3A_76 = tpu.memref_slice %arg5[%add3A, %dma_start3A_75] : memref<32x16xf32, #tpu.memory_space<hbm>> -> memref<1x16xf32, #tpu.memory_space<hbm>>
      %dma_start3A_77 = tpu.memref_squeeze %dma_start3A_76 : memref<1x16xf32, #tpu.memory_space<hbm>> -> memref<16xf32, #tpu.memory_space<hbm>>
      tpu.enqueue_dma source(%arg18 : memref<16xf32, #tpu.memory_space<vmem>>) target(%dma_start3A_77 : memref<16xf32, #tpu.memory_space<hbm>>) target_semaphore(%run_scoped3A : memref<!tpu.dma_semaphore, #tpu.memory_space<semaphore_mem>>)
      %dma_wait3A_78 = arith.constant 0 : i32
      %dma_wait3A_79 = tpu.memref_slice %arg5[%add3A, %dma_wait3A_78] : memref<32x16xf32, #tpu.memory_space<hbm>> -> memref<1x16xf32, #tpu.memory_space<hbm>>
      %dma_wait3A_80 = tpu.memref_squeeze %dma_wait3A_79 : memref<1x16xf32, #tpu.memory_space<hbm>> -> memref<16xf32, #tpu.memory_space<hbm>>
      %dma_wait3A_81 = arith.constant 0 : i32
      %dma_wait3A_82 = tpu.memref_slice %arg5[%add3A, %dma_wait3A_81] : memref<32x16xf32, #tpu.memory_space<hbm>> -> memref<1x16xf32, #tpu.memory_space<hbm>>
      %dma_wait3A_83 = tpu.memref_squeeze %dma_wait3A_82 : memref<1x16xf32, #tpu.memory_space<hbm>> -> memref<16xf32, #tpu.memory_space<hbm>>
      tpu.wait_dma2 semaphore(%run_scoped3A : memref<!tpu.dma_semaphore, #tpu.memory_space<semaphore_mem>>) src(%arg18 : memref<16xf32, #tpu.memory_space<vmem>>) dst(%dma_wait3A_83 : memref<16xf32, #tpu.memory_space<hbm>>)
      tpu.yield
    }) : () -> ()
    return
  }
}

</mosaic_0001>

<sc_bundles>
// kernel: kernel.3.cloned.1.call-start
scs
__scs_entry_jumppad:
0x0: {  	(pc) =	sbr.rel $0x88, $3  }
0x1: {  	(tag) =	ssettag $0x0;
	lr =	simm.s32 $0x1  }
0x2: {  	[smem:$0x3F9E] =	sst lr;
	_ =	strace $0xD0000000  }
0x3: {  	_ = 	snop  }
0x4: {  	_ = 	snop  }
0x5: {  	_ = 	snop  }
0x6: {  	_ = 	snop  }
0x7: {  	_ = 	snop  }
__scs_overlays_trampoline_lowered:
0x8: {  	[smem:$0x3FAD] =	sst s0  }
0x9: {  	[smem:$0x3FAE] =	sst s1  }
0xa: {  	[smem:$0x3FAF] =	sst s2  }
0xb: {  	[smem:$0x3FB0] =	sst s3  }
0xc: {  	[smem:$0x3FB1] =	sst s4  }
0xd: {  	[smem:$0x3FB2] =	sst s5  }
0xe: {  	[smem:$0x3FB3] =	sst s6  }
0xf: {  	[smem:$0x3FB4] =	sst s7  }
0x10: {  	[smem:$0x3FB5] =	sst s8  }
0x11: {  	[smem:$0x3FB6] =	sst s9;
	s0 =	simm.s32 @!p0 $0x0  }
0x12: {  	s1 =	sld [smem:$0x3F9C];
	s0 =	simm.s32 @p0 $0x1  }
0x13: {  	[smem:$0x3FB7] =	sst s0;
	s0 =	simm.s32 @!p1 $0x0  }
0x14: {  	s2 =	sld [smem:$0x3F9B];
	s0 =	simm.s32 @p1 $0x1  }
0x15: {  	[smem:$0x3FB8] =	sst s0;
	s0 =	simm.s32 @!p2 $0x0  }
0x16: {  	s3 =	sld [smem:$0x3FDB];
	s0 =	simm.s32 @p2 $0x1  }
0x17: {  	s4 =	simm.s32 $0x1BF5;
	[smem:$0x3FBA] =	sst s0  }
0x18: {  	s0 =	sld [smem:$0x3F9D];
	_ =	swait.ge [sflag:s4], $0x0  }
0x19: {  	s7 =	sld [smem:$0x3F9E]  }
0x1a: {  	s8 =	sadd.s32 $0xFFFFE003, lr  }
0x1b: {  	s9 =	sadd.s32 $0xFFFFFEF7, lr;
	s5 =	simm.s32 $0xFFFFFFFF;
	p2 =	slt.u32 s8, $0xFFFFF086  }
0x1c: {  	p1 =	slt.u32 s9, $0xF7A;
	s5 =	simm.s32 @!p2 $0x0  }
0x1d: {  	s5 =	simm.s32 @p1 $0x1;
	p0 =	seq.s32 s7, s2  }
0x1e: {  	s7 =	smul.u32 @!p0 $0xF7A, s2;
	p2 =	seq.s32 @!p0 s5, $0x0  }
0x1f: {  	s9 =	smul.u32 $0xF7A, s1;
	s8 =	simm.s32 @!p0 $0x1BF5;
	p2 =	por !p2, p0  }
0x20: {  	[sflag:s8] =	ssyncset.s32 @!p0 $0xFFFFF086;
	s6 =	sadd.s32 @!p0 s3, s7;
	s7 =	simm.s32 @!p0 $0x108  }
0x21: {  	s3 =	sadd.s32 s3, s9;
	s6 =	sadd.s32 @!p0 $0x88, s6;
	s7 =	simm.s32 @p2 $0x1082  }
0x22: {  	[simem:s7], [sflag:s8] =	dma.local @!p0 [hbm:s6], $0xF7A  }
0x23: {  	s9 =	sor.u32 $0xD0000000, s2;
	s6 =	simm.s32 $0x108;
	_ =	swait.ge @!p0 [sflag:s8], $0x0  }
0x24: {  	s3 =	sadd.s32 $0x88, s3;
	s6 =	simm.s32 @!p1 $0x1082;
	[sflag:s4] =	ssyncset.s32 $0xFFFFF086  }
0x25: {  	[simem:s6], [sflag:s4] =	dma.local [hbm:s3], $0xF7A  }
0x26: {  	[smem:$0x3F9E] =	sst s1;
	(tag) =	ssettag s2;
	_ =	strace s9  }
0x27: {  	s1 =	sld [smem:$0x3FAE]  }
0x28: {  	s2 =	sld [smem:$0x3FAF]  }
0x29: {  	s4 =	sld [smem:$0x3FB1]  }
0x2a: {  	p0 =	seq.s32 s5, $0x0;
	s5 =	sld [smem:$0x3FB2]  }
0x2b: {  	s6 =	sld [smem:$0x3FB3]  }
0x2c: {  	s7 =	sld [smem:$0x3FB4]  }
0x2d: {  	s3 =	simm.s32 $0x108;
	s8 =	sld [smem:$0x3FB5]  }
0x2e: {  	s3 =	simm.s32 @!p0 $0x1082;
	s9 =	sld [smem:$0x3FB6]  }
0x2f: {  	lr =	sadd.s32 s0, s3;
	s0 =	sld [smem:$0x3FAD]  }
0x30: {  	s3 =	sld [smem:$0x3FB0]  }
0x31: {  	[smem:$0x3FB9] =	sst s10  }
0x32: {  	s10 =	sld [smem:$0x3FB7];
	_ =	sdelay $0x3  }
0x33: {  	p0 =	seq.s32 s10, $0x1;
	s10 =	sld [smem:$0x3FB9];
	_ =	sdelay $0x3  }
0x34: {  	[smem:$0x3FB9] =	sst s10  }
0x35: {  	s10 =	sld [smem:$0x3FB8];
	_ =	sdelay $0x3  }
0x36: {  	p1 =	seq.s32 s10, $0x1;
	s10 =	sld [smem:$0x3FB9];
	_ =	sdelay $0x3  }
0x37: {  	[smem:$0x3FB9] =	sst s10  }
0x38: {  	s10 =	sld [smem:$0x3FBA]  }
0x39: {  	_ = 	snop;
	(pc) =	sbr.ind lr, $3  }
0x3a: {  	_ = 	snop  }
0x3b: {  	_ = 	snop  }
0x3c: {  	p2 =	seq.s32 s10, $0x1;
	s10 =	sld [smem:$0x3FB9]  }
0x3d: {  	_ =	shalt  }
0x3e: {  	_ =	shalt  }
0x3f: {  	_ =	shalt  }
0x40: {  	_ =	shalt  }
0x41: {  	_ =	shalt  }
0x42: {  	_ =	shalt  }
0x43: {  	_ =	shalt  }
0x44: {  	_ =	shalt  }
0x45: {  	_ =	shalt  }
0x46: {  	_ =	shalt  }
0x47: {  	_ =	shalt  }
0x48: {  	_ =	shalt  }
0x49: {  	_ =	shalt  }
0x4a: {  	_ =	shalt  }
0x4b: {  	_ =	shalt  }
0x4c: {  	_ =	shalt  }
0x4d: {  	_ =	shalt  }
0x4e: {  	_ =	shalt  }
0x4f: {  	_ =	shalt  }
0x50: {  	_ =	shalt  }
0x51: {  	_ =	shalt  }
0x52: {  	_ =	shalt  }
0x53: {  	_ =	shalt  }
0x54: {  	_ =	shalt  }
0x55: {  	_ =	shalt  }
0x56: {  	_ =	shalt  }
0x57: {  	_ =	shalt  }
0x58: {  	_ =	shalt  }
0x59: {  	_ =	shalt  }
0x5a: {  	_ =	shalt  }
0x5b: {  	_ =	shalt  }
0x5c: {  	_ =	shalt  }
0x5d: {  	_ =	shalt  }
0x5e: {  	_ =	shalt  }
0x5f: {  	_ =	shalt  }
0x60: {  	_ =	shalt  }
0x61: {  	_ =	shalt  }
0x62: {  	_ =	shalt  }
0x63: {  	_ =	shalt  }
0x64: {  	_ =	shalt  }
0x65: {  	_ =	shalt  }
0x66: {  	_ =	shalt  }
0x67: {  	_ =	shalt  }
0x68: {  	_ =	shalt  }
0x69: {  	_ =	shalt  }
0x6a: {  	_ =	shalt  }
0x6b: {  	_ =	shalt  }
0x6c: {  	_ =	shalt  }
0x6d: {  	_ =	shalt  }
0x6e: {  	_ =	shalt  }
0x6f: {  	_ =	shalt  }
0x70: {  	_ =	shalt  }
0x71: {  	_ =	shalt  }
0x72: {  	_ =	shalt  }
0x73: {  	_ =	shalt  }
0x74: {  	_ =	shalt  }
0x75: {  	_ =	shalt  }
0x76: {  	_ =	shalt  }
0x77: {  	_ =	shalt  }
0x78: {  	_ =	shalt  }
0x79: {  	_ =	shalt  }
0x7a: {  	_ =	shalt  }
0x7b: {  	_ =	shalt  }
0x7c: {  	_ =	shalt  }
0x7d: {  	_ =	shalt  }
0x7e: {  	_ =	shalt  }
0x7f: {  	_ =	shalt  }
0x80: {  	_ =	shalt  }
0x81: {  	_ =	shalt  }
0x82: {  	_ =	shalt  }
0x83: {  	_ =	shalt  }
0x84: {  	_ =	shalt  }
0x85: {  	_ =	shalt  }
0x86: {  	_ =	shalt  }
0x87: {  	_ =	shalt  }
.Lfunc_end0:
.L_simem_size_0:
called_computation_lowered:
.L_overlay_start_0:
0x88: {  	s2 =	sld [smem:$0x3FD9]  }
0x89: {  	s3 =	sld [smem:$0x3FFE];
	_ =	sdelay $0x1  }
0x8a: {  	s1 =	srdreg.scid  }
0x8b: {  	s0 =	sand.u32 $0x1, s1  }
0x8c: {  	s17 =	sshll.u32 s0, $0xA;
	s2 =	sadd.s32 s3, s2  }
0x8d: {  	s2 =	sadd.s32 s2, s17  }
0x8e: {  	[smem:$0x3FC5] =	sst s2  }
0x8f: {  	_ = 	snop  }
0x90: {  	s2 =	sld [smem:$0x3FC9]  }
0x91: {  	s18 =	sld [smem:$0x3FC8]  }
0x92: {  	s4 =	sld [smem:$0x3FC7];
	(tm) =	ssettm $0x1  }
0x93: {  	s5 =	sld [smem:$0x3FFB];
	_ =	sdelay $0x3  }
0x94: {  	_ =	strace s5  }
0x95: {  	s5 =	sld [smem:$0x3FFC];
	_ =	sdelay $0x3  }
0x96: {  	_ =	strace s5  }
0x97: {  	s5 =	sld [smem:$0x3FFD];
	_ =	sdelay $0x3  }
0x98: {  	_ =	strace s5  }
0x99: {  	_ =	strace $0x8FFFFFFF  }
0x9a: {  	s19 =	sld [smem:$0x3FDB];
	_ =	sdelay $0x1  }
0x9b: {  	s6 =	simm.s32 $_scs_section_size  }
0x9c: {  	s7 =	simm.s32 $_size__tile_overlayer_lowered;
	s8 =	simm.s32 $_tile_overlayer_lowered  }
0x9d: {  	s22 =	simm.s32 $0x1BFF;
	s21 =	sshll.u32 s8, $0x1;
	s5 =	sadd.s32 s6, s19  }
0x9e: {  	s9 =	simm.s32 $0x0;
	s20 =	sshll.u32 s7, $0x1;
	s7 =	sadd.s32 s21, s5  }
0x9f: {  	[timem:s9], [sflag:s22] =	dma.local [hbm:s7], s20  }
0xa0: {  	_ =	swait.ge [sflag:s22], s20  }
0xa1: {  	s6 =	ssub.s32 $0x0, s20;
	[sflag:s22] =	ssyncset.done $0x0  }
0xa2: {  	[sflag:s22] =	ssyncadd.s32 s6;
	_ =	sdelay $0x1  }
0xa3: {  	s23 =	simm.s32 $0x1B8B  }
0xa4: {  	_ =	swait.ge [sflag:s23], $0x1  }
0xa5: {  	[sflag:s23] =	ssyncset.done $0x0  }
0xa6: {  	s25 =	simm.s32 $0x1B8E;
	s24 =	sld [smem:$0x3FFE];
	[sflag:s23] =	ssyncadd.s32 $0xFFFFFFFF  }
0xa7: {  	s26 =	simm.s32 $execute0_lowered;
	[smem:$0x3FD2] =	sst s25  }
0xa8: {  	s7 =	sshll.u32 s26, $0x1;
	_ =	strace $0x80000046;
	[dreg:$0x1] =	wrdreg $0xFFFFFFFF  }
0xa9: {  	s28 =	simm.s32 $_size_execute0_lowered;
	s5 =	sadd.s32 s5, s7;
	[dreg:$0x0] =	wrdreg $0x0  }
0xaa: {  	s7 =	sshll.u32 s28, $0x1;
	[dreg:$0x2] =	wrdreg s5  }
0xab: {  	[dreg:$0x3] =	wrdreg s7  }
0xac: {  	[dreg:$0x4] =	wrdreg $0xC0  }
0xad: {  	_ =	task [dreg:s9], $0x5FFFF  }
0xae: {  	[dreg:$0x1] =	wrdreg $0xFFFFFFFF  }
0xaf: {  	[dreg:$0x0] =	wrdreg $0x60  }
0xb0: {  	[dreg:$0x2] =	wrdreg s2  }
0xb1: {  	[dreg:$0x3] =	wrdreg s18  }
0xb2: {  	[dreg:$0x4] =	wrdreg s4  }
0xb3: {  	[dreg:$0x5] =	wrdreg s24  }
0xb4: {  	[dreg:$0x6] =	wrdreg $0x9  }
0xb5: {  	_ =	task.clear_ibuf [dreg:s9], $0x7FFFF;
	_ =	strace $0x90000046  }
0xb6: {  	s29 =	simm.s32 $0x9;
	_ =	strace $0x80000048  }
0xb7: {  	_ =	swait.ge [sflag:s29], $0x1  }
0xb8: {  	[sflag:s29] =	ssyncadd.s32 $0xFFFFFFFF  }
0xb9: {  	_ =	strace $0x90000048  }
0xba: {  	_ =	sfence  }
0xbb: {  	s30 =	sld [smem:$0x0];
	_ =	sdelay $0x2  }
0xbc: {  	s31 =	sshll.u32 s1, $0xD;
	s1 =	sshrl.u32 s1, $0x2  }
0xbd: {  	s3 =	sand.u32 $0x4000, s31;
	s1 =	sadd.s32 s1, s30  }
0xbe: {  	s0 =	sor.u32 s3, s0;
	s1 =	sshll.u32 s1, $0x11  }
0xbf: {  	s0 =	sor.u32 s1, s0  }
0xc0: {  	s0 =	sadd.s32 $0x8F2B, s0  }
0xc1: {  	[sflag:s0] =	ssyncadd.remote.s32 $0x1  }
0xc2: {  	_ =	sfence.sel $0xFFFF  }
0xc3: {  	[dreg:$0x0] =	wrdreg $0xFFFFFFFF;
	(pc) =	sbr.abs _section_cstart, $3  }
0xc4: {  	[dreg:$0x1] =	wrdreg $0xFFFFFFFF  }
0xc5: {  	_ =	task.clear_ibuf [dreg:s9], $0x2FFFF;
	_ =	strace $0x9FFFFFFF  }
0xc6: {  	(tm) =	ssettm $0x7FFFFFFF  }
0xc7: {  	_ =	shalt  }
tec
execute0_lowered:
.L_overlay_start_1:
0x0: {  	(tag) =	ssettag $0x1  }
0x1: {  	s1 =	rddreg [dreg:$0x0]  }
0x2: {  	s3 =	rddreg [dreg:$0x1]  }
0x3: {  	s4 =	rddreg [dreg:$0x2]  }
0x4: {  	s0 =	rddreg [dreg:$0x3]  }
0x5: {  	s2 =	srdreg.scid;
	s5 =	stileid.u32  }
0x6: {  	s18 =	simm.s32 $0x1;
	s19 =	simm.s32 $0x40;
	s28 =	simm.s32 $0xE200  }
0x7: {  	s29 =	simm.s32 $0x8200;
	s30 =	simm.s32 $0xA200;
	s31 =	simm.s32 $0xC200  }
0x8: {  	s21 =	simm.s32 $0x5;
	s22 =	simm.s32 $0x0;
	s2 =	sand.u32 $0x1, s2  }
0x9: {  	s6 =	sshll.u32 s5, $0x1;
	s5 =	simm.s32 $0x0;
	s7 =	ssub.s32 $0x2, s2  }
0xa: {  	s2 =	sor.u32 s2, s6;
	[smem:$0x7FF] =	sst s5;
	s23 =	sshrl.u32 s7, $0x1  }
0xb: {  	s8 =	sshll.u32 s2, $0x6;
	_ =	strace $0x80000047;
	s9 =	sshll.u32 s2, $0xD  }
0xc: {  	s10 =	ssub.s32 s7, s23;
	s6 =	sadd.s32 s4, s8;
	s24 =	sadd.s32 s1, s9  }
0xd: {  	s7 =	sshll.u32 s2, $0x9;
	s25 =	sadd.s32 s3, s9;
	[dreg:$0x6] =	wrdreg s24  }
0xe: {  	s2 =	sshll.u32 s2, $0x4;
	s8 =	sadd.s32 $0x800, s6;
	[dreg:$0x7] =	wrdreg s25  }
0xf: {  	s26 =	sadd.s32 $0x8, s6;
	s13 =	sadd.s32 $0x808, s6;
	s14 =	sor.u32 $0xC0, s7  }
0x10: {  	s15 =	sadd.s32 s0, s2;
	s16 =	smax.u32 s10, $0x1;
	s24 =	simm.s32 $0x8100  }
0x11: {  	s25 =	simm.s32 $0x8180;
	s0 =	simm.s32 $0x3;
	[dreg:$0x5] =	wrdreg s8  }
0x12: {  	vm0 =	vmmov $0x7fff;
	s2 =	simm.s32 $0x4;
	[dreg:$0x8] =	wrdreg s26;
	s26 =	simm.s32 $0x2  }
.LBB2_1:
0x13: {  	[tilespmem:s5], [sflag:$0x1] =	stream.linear.gather [hbm4b:s6+s5], $0x40, $0x38;
	[tilespmem:$0x10280] =	vst v63  }
0x14: {  	s8 =	rddreg [dreg:$0x5];
	s10 =	simm.s32 $0x80  }
0x15: {  	[tilespmem:s10], [sflag:$0x1] =	stream.linear.gather [hbm4b:s8+s5], $0x40, $0x38;
	[tilespmem:$0x10280] =	vst v63  }
0x16: {  	_ =	swait.ge [sflag:s18], $0x40  }
0x17: {  	[sflag:s18] =	ssyncset.done $0x0  }
0x18: {  	[sflag:s18] =	ssyncadd.s32 $0xFFFFFFC0  }
0x19: {  	_ =	swait.ge [sflag:s18], $0x40  }
0x1a: {  	[sflag:s18] =	ssyncset.done $0x0  }
0x1b: {  	s23 =	simm.s32 $0x6100;
	[sflag:s18] =	ssyncadd.s32 $0xFFFFFFC0  }
0x1c: {  	[tilespmem:s23], [sflag:$0x3] =	stream.indirect.gather [hbm4b:s1+s19], $0x80, s10, s19, $0xb8;
	[tilespmem:$0x10280] =	vst v63  }
0x1d: {  	s11 =	simm.s32 $0x100;
	s10 =	rddreg [dreg:$0x6]  }
0x1e: {  	[tilespmem:s11], [sflag:$0x3] =	stream.linear.gather [hbm4b:s10+s5], $0x2000, $0x38;
	[tilespmem:$0x10280] =	vst v63  }
0x1f: {  	s17 =	simm.s32 $0x2100;
	s12 =	rddreg [dreg:$0x7]  }
0x20: {  	[tilespmem:s17], [sflag:$0x3] =	stream.linear.gather [hbm4b:s12+s5], $0x2000, $0x38;
	[tilespmem:$0x10280] =	vst v63  }
0x21: {  	v0 =	vld [tilespmem:$0x0]  }
0x22: {  	v1 =	vld [tilespmem:$0x10]  }
0x23: {  	v2 =	vld [tilespmem:$0x20]  }
0x24: {  	v3 =	vld [tilespmem:$0x30];
	_ =	sdelay $0x1  }
0x25: {  	v0 =	vadd.s32 $0xFFFFC000, v0  }
0x26: {  	[tilespmem:$0x0] =	vst v0;
	v0 =	vadd.s32 $0xFFFFC000, v1  }
0x27: {  	[tilespmem:$0x10] =	vst v0;
	v0 =	vadd.s32 $0xFFFFC000, v2  }
0x28: {  	[tilespmem:$0x20] =	vst v0;
	v0 =	vadd.s32 $0xFFFFC000, v3  }
0x29: {  	s20 =	simm.s32 $0x4100;
	[tilespmem:$0x30] =	vst v0  }
0x2a: {  	[tilespmem:s20], [sflag:$0x3] =	stream.indirect.gather [hbm4b:s3+s19], $0x80, s5, s19, $0xb8;
	[tilespmem:$0x10280] =	vst v63  }
0x2b: {  	s23 =	rddreg [dreg:$0x8]  }
0x2c: {  	[tilespmem:s24], [sflag:$0x2] =	stream.linear.gather [hbm4b:s23+s5], $0x40, $0x38;
	[tilespmem:$0x10280] =	vst v63  }
0x2d: {  	s23 =	simm.s32 $0x0  }
0x2e: {  	v0 =	vimm.f32 $0.0e+00;
	[tilespmem:s25], [sflag:$0x2] =	stream.linear.gather [hbm4b:s13+s5], $0x40, $0x38;
	[tilespmem:$0x10280] =	vst v63  }
.LBB2_2:
0x2f: {  	_ =	swait.ge [sflag:s26], $0x40  }
0x30: {  	[sflag:s26] =	ssyncset.done $0x0  }
0x31: {  	s20 =	sshll.u32 s23, $0x7;
	[sflag:s26] =	ssyncadd.s32 $0xFFFFFFC0  }
0x32: {  	s8 =	sor.u32 s20, s7;
	_ =	swait.ge [sflag:s26], $0x40  }
0x33: {  	s8 =	sshll.u32 s8, $0x4;
	[sflag:s26] =	ssyncset.done $0x0  }
0x34: {  	s8 =	sor.u32 $0x400, s8;
	[sflag:s26] =	ssyncadd.s32 $0xFFFFFFC0  }
0x35: {  	[tilespmem:s28], [sflag:$0x4] =	stream.indirect.gather [hbm4b:s1+s19], $0x80, s25, s19, $0xb8;
	[tilespmem:$0x10280] =	vst v63  }
0x36: {  	s10 =	sadd.s32 s1, s8  }
0x37: {  	[tilespmem:s29], [sflag:$0x4] =	stream.linear.gather [hbm4b:s10+s5], $0x2000, $0x38;
	[tilespmem:$0x10280] =	vst v63  }
0x38: {  	s8 =	sadd.s32 s3, s8  }
0x39: {  	[tilespmem:s30], [sflag:$0x4] =	stream.linear.gather [hbm4b:s8+s5], $0x2000, $0x38;
	[tilespmem:$0x10280] =	vst v63  }
0x3a: {  	v1 =	vld [tilespmem:$0x8100]  }
0x3b: {  	v2 =	vld [tilespmem:$0x8110]  }
0x3c: {  	v3 =	vld [tilespmem:$0x8120]  }
0x3d: {  	v4 =	vld [tilespmem:$0x8130];
	_ =	sdelay $0x1  }
0x3e: {  	v1 =	vadd.s32 $0xFFFFC000, v1  }
0x3f: {  	[tilespmem:$0x8100] =	vst v1;
	v1 =	vadd.s32 $0xFFFFC000, v2  }
0x40: {  	[tilespmem:$0x8110] =	vst v1;
	v1 =	vadd.s32 $0xFFFFC000, v3  }
0x41: {  	[tilespmem:$0x8120] =	vst v1;
	v1 =	vadd.s32 $0xFFFFC000, v4  }
0x42: {  	[tilespmem:$0x8130] =	vst v1  }
0x43: {  	[tilespmem:s31], [sflag:$0x4] =	stream.indirect.gather [hbm4b:s3+s19], $0x80, s24, s19, $0xb8;
	[tilespmem:$0x10280] =	vst v63  }
0x44: {  	_ =	swait.ge [sflag:s0], $0x2000  }
0x45: {  	[sflag:s0] =	ssyncset.done $0x0  }
0x46: {  	[sflag:s0] =	ssyncadd.s32 $0xFFFFE000  }
0x47: {  	_ =	swait.ge [sflag:s0], $0x2000  }
0x48: {  	[sflag:s0] =	ssyncset.done $0x0  }
0x49: {  	[sflag:s0] =	ssyncadd.s32 $0xFFFFE000  }
0x4a: {  	s11 =	sshll.u32 s23, $0x1;
	_ =	swait.ge [sflag:s0], $0x2000  }
0x4b: {  	p0 =	seq.s32 s23, $0x3;
	s17 =	sadd.s32 $0x2, s11;
	[sflag:s0] =	ssyncset.done $0x0  }
0x4c: {  	s8 =	sshll.u32 @!p0 s17, $0x6;
	[sflag:s0] =	ssyncadd.s32 $0xFFFFE000  }
0x4d: {  	s8 =	sadd.s32 @!p0 s7, s8;
	_ =	swait.ge [sflag:s0], $0x2000  }
0x4e: {  	s8 =	sshrl.u32 @!p0 s8, $0x3;
	[sflag:s0] =	ssyncset.done $0x0  }
0x4f: {  	s10 =	simm.s32 @!p0 $0x0;
	s8 =	sadd.s32 @!p0 s4, s8;
	[sflag:s0] =	ssyncadd.s32 $0xFFFFE000  }
0x50: {  	[tilespmem:s10], [sflag:$0x1] =	stream.linear.gather @!p0 [hbm4b:s8+s10], $0x40, $0x38;
	[tilespmem:$0x10280] =	vst v63  }
0x51: {  	s12 =	simm.s32 $0x0;
	s11 =	simm.s32 @!p0 $0x80;
	s8 =	sadd.s32 @!p0 $0x800, s8  }
0x52: {  	[tilespmem:s11], [sflag:$0x1] =	stream.linear.gather @!p0 [hbm4b:s8+s10], $0x40, $0x38;
	[tilespmem:$0x10280] =	vst v63  }
0x53: {  	v1 =	vld [tilespmem:s12+$0x150]  }
0x54: {  	v2 =	vld [tilespmem:s12+$0x2150]  }
0x55: {  	v3 =	vld [tilespmem:s12+$0x4140]  }
0x56: {  	v4 =	vld [tilespmem:s12+$0x2140]  }
0x57: {  	v5 =	vld [tilespmem:s12+$0x140]  }
0x58: {  	v6 =	vld [tilespmem:s12+$0x6130]  }
0x59: {  	v7 =	vld [tilespmem:s12+$0x4130]  }
0x5a: {  	v8 =	vld [tilespmem:s12+$0x2130]  }
0x5b: {  	v9 =	vld [tilespmem:s12+$0x130]  }
0x5c: {  	v10 =	vld [tilespmem:s12+$0x6120]  }
0x5d: {  	v11 =	vld [tilespmem:s12+$0x4120]  }
0x5e: {  	v12 =	vld [tilespmem:s12+$0x2120]  }
0x5f: {  	v13 =	vld [tilespmem:s12+$0x120]  }
0x60: {  	v14 =	vld [tilespmem:s12+$0x6110]  }
0x61: {  	v15 =	vld [tilespmem:s12+$0x4110]  }
0x62: {  	v16 =	vld [tilespmem:s12+$0x2110]  }
0x63: {  	v17 =	vld [tilespmem:s12+$0x110]  }
0x64: {  	v18 =	vld [tilespmem:s12+$0x4170]  }
0x65: {  	v19 =	vld [tilespmem:s12+$0x6100]  }
0x66: {  	v20 =	vld [tilespmem:s12+$0x2100]  }
0x67: {  	v21 =	vld [tilespmem:s12+$0x100]  }
0x68: {  	v22 =	vld [tilespmem:s12+$0x4100]  }
0x69: {  	v23 =	vld [tilespmem:s12+$0x6150];
	v10 =	vsub.f32 v12, v10  }
0x6a: {  	v24 =	vld [tilespmem:s12+$0x160];
	v12 =	vsub.f32 v13, v12;
	v11 =	vsub.f32 v13, v11  }
0x6b: {  	v25 =	vld [tilespmem:s12+$0x2160];
	v13 =	vsub.f32 v9, v8;
	v7 =	vsub.f32 v9, v7  }
0x6c: {  	v26 =	vld [tilespmem:s12+$0x4150];
	v9 =	vsub.f32 v16, v14;
	v16 =	vsub.f32 v17, v16  }
0x6d: {  	s8 =	simm.s32 $0x80;
	v27 =	vld [tilespmem:s12+$0x4160];
	v19 =	vsub.f32 v20, v19;
	v15 =	vsub.f32 v17, v15  }
0x6e: {  	v28 =	vld [tilespmem:s8+$0x150];
	v17 =	vsub.f32 v21, v22;
	v20 =	vsub.f32 v21, v20  }
0x6f: {  	v14 =	vld [tilespmem:s12+$0x6160];
	v6 =	vsub.f32 v8, v6;
	v23 =	vsub.f32 v2, v23  }
0x70: {  	v22 =	vld [tilespmem:s12+$0x170];
	v2 =	vsub.f32 v1, v2;
	v9 =	vmul.f32 v9, v9;
	v19 =	vmul.f32 v19, v19  }
0x71: {  	v21 =	vld [tilespmem:s12+$0x2170];
	v3 =	vsub.f32 v5, v3;
	v8 =	vmul.f32 v15, v15;
	v15 =	vmul.f32 v17, v17  }
0x72: {  	v16 =	vmul.f32 v16, v16;
	v17 =	vld [tilespmem:s12+$0x6140];
	v20 =	vmul.f32 v20, v20;
	v9 =	vadd.f32 v9, v19  }
0x73: {  	v11 =	vmul.f32 v11, v11;
	v19 =	vld [tilespmem:s12+$0x6170];
	v8 =	vadd.f32 v8, v15;
	v15 =	vsub.f32 v1, v26  }
0x74: {  	v1 =	vmul.f32 v12, v12;
	v12 =	vadd.f32 v16, v20;
	v16 =	vld [tilespmem:s8+$0x2150];
	v20 =	vsub.f32 v24, v27  }
0x75: {  	v24 =	vsub.f32 v24, v25;
	v14 =	vsub.f32 v25, v14;
	v25 =	vld [tilespmem:s8+$0x6120]  }
0x76: {  	v5 =	vsub.f32 v5, v4;
	v10 =	vmul.f32 v10, v10;
	v8 =	vadd.f32 v11, v8;
	v11 =	vld [tilespmem:s8+$0x4140]  }
0x77: {  	v7 =	vmul.f32 v7, v7;
	v13 =	vmul.f32 v13, v13;
	v12 =	vadd.f32 v1, v12;
	v1 =	vld [tilespmem:s8+$0x2140]  }
0x78: {  	v6 =	vmul.f32 v6, v6;
	v5 =	vmul.f32 v5, v5;
	v9 =	vadd.f32 v10, v9;
	v10 =	vld [tilespmem:s8+$0x4130]  }
0x79: {  	v3 =	vmul.f32 v3, v3;
	v2 =	vmul.f32 v2, v2;
	v4 =	vsub.f32 v4, v17;
	v17 =	vld [tilespmem:s8+$0x6130]  }
0x7a: {  	v23 =	vmul.f32 v23, v23;
	v7 =	vadd.f32 v7, v8;
	v8 =	vld [tilespmem:s8+$0x140];
	v12 =	vadd.f32 v13, v12  }
0x7b: {  	v18 =	vsub.f32 v22, v18;
	v13 =	vld [tilespmem:s8+$0x2130];
	v6 =	vadd.f32 v6, v9;
	v4 =	vmul.f32 v4, v4  }
0x7c: {  	v22 =	vsub.f32 v22, v21;
	v24 =	vmul.f32 v24, v24;
	v9 =	vld [tilespmem:s8+$0x130];
	v5 =	vadd.f32 v5, v12  }
0x7d: {  	v3 =	vadd.f32 v3, v7;
	v7 =	vmul.f32 v15, v15;
	v15 =	vld [tilespmem:s8+$0x2120];
	v4 =	vadd.f32 v4, v6  }
0x7e: {  	v14 =	vmul.f32 v14, v14;
	v12 =	vsub.f32 v21, v19;
	v21 =	vld [tilespmem:s8+$0x2100];
	v2 =	vadd.f32 v2, v5  }
0x7f: {  	v19 =	vmul.f32 v20, v20;
	v5 =	vld [tilespmem:s8+$0x120];
	v3 =	vadd.f32 v7, v3;
	v4 =	vadd.f32 v23, v4  }
0x80: {  	v18 =	vmul.f32 v18, v18;
	v20 =	vmul.f32 v22, v22;
	v6 =	vld [tilespmem:s8+$0x4120];
	v2 =	vadd.f32 v24, v2  }
0x81: {  	v7 =	vld [tilespmem:s8+$0x6110];
	v12 =	vmul.f32 v12, v12;
	v3 =	vadd.f32 v19, v3;
	v4 =	vadd.f32 v14, v4  }
0x82: {  	v19 =	vld [tilespmem:s8+$0x2110];
	v2 =	vadd.f32 v20, v2  }
0x83: {  	v14 =	vld [tilespmem:s8+$0x4110];
	v18 =	vadd.f32 v18, v3;
	v12 =	vadd.f32 v12, v4  }
0x84: {  	v20 =	vld [tilespmem:s8+$0x110];
	v3 =	vsub.f32 v15, v25;
	v22 =	vsub.f32 v5, v15  }
0x85: {  	v15 =	vld [tilespmem:s8+$0x6100];
	v5 =	vsub.f32 v5, v6;
	v12 =	vsub.f32 v2, v12  }
0x86: {  	v6 =	vsub.f32 v9, v13;
	v9 =	vsub.f32 v9, v10;
	v10 =	vld [tilespmem:s8+$0x100]  }
0x87: {  	v27 =	vld [tilespmem:s8+$0x4150];
	v11 =	vsub.f32 v8, v11;
	v23 =	vsub.f32 v19, v7;
	(xrf2) =	vadd.scan.msk.f32 $0xffff, v12  }
0x88: {  	v3 =	vmul.f32 v3, v3;
	v2 =	vsub.f32 v2, v18;
	v12 =	vsub.f32 v13, v17;
	v17 =	vld [tilespmem:s8+$0x4100]  }
0x89: {  	v25 =	vld [tilespmem:s8+$0x6150];
	v7 =	vmul.f32 v6, v6;
	v9 =	vmul.f32 v9, v9;
	v19 =	vsub.f32 v20, v19  }
0x8a: {  	v4 =	vld [tilespmem:s8+$0x4170];
	v24 =	vsub.f32 v20, v14;
	v13 =	vsub.f32 v8, v1;
	v23 =	vmul.f32 v23, v23;
	(xrf2) =	vadd.scan.msk.f32 $0xffff, v2  }
0x8b: {  	v18 =	vld [tilespmem:s8+$0x170];
	v15 =	vsub.f32 v21, v15;
	v26 =	vsub.f32 v10, v21;
	v6 =	vmul.f32 v12, v12  }
0x8c: {  	v14 =	vld [tilespmem:s8+$0x160];
	v8 =	vmul.f32 v13, v13;
	v12 =	vmul.f32 v11, v11;
	v11 =	vsub.f32 v28, v16  }
0x8d: {  	v13 =	vld [tilespmem:s8+$0x2160];
	v20 =	vmul.f32 v19, v19;
	v19 =	vmul.f32 v24, v24;
	v17 =	vsub.f32 v10, v17  }
0x8e: {  	v21 =	vld [tilespmem:s8+$0x4160];
	v29 =	vmul.f32 v15, v15;
	v24 =	vmul.f32 v26, v26  }
0x8f: {  	v15 =	vld [tilespmem:s8+$0x6160];
	v10 =	vmul.f32 v11, v11;
	v11 =	vsub.f32 v16, v25;
	v25 =	vmul.f32 v17, v17  }
0x90: {  	v26 =	vmul.f32 v5, v5;
	v16 =	vld [tilespmem:s8+$0x2170];
	v17 =	vadd.f32 v23, v29;
	v23 =	vmul.f32 v22, v22  }
0x91: {  	s10 =	simm.s32 $0x400;
	v11 =	vmul.f32 v11, v11;
	v22 =	vld [tilespmem:s8+$0x6140];
	v25 =	vadd.f32 v19, v25;
	v19 =	vsub.f32 v28, v27;
	v2, _, _ =	vpop (xrf2)  }
.LBB2_3:
0x92: {  	p1 =	sne.s32 s10, $0x7E00;
	v20 =	vadd.f32 v20, v24;
	v24 =	vsub.f32 v14, v13;
	v27 =	vld [tilespmem:s8+$0x6170];
	s8 =	sshra.s32 s10, $0x2;
	s10 =	sadd.s32 $0x200, s10  }
0x93: {  	v5 =	vld [tilespmem:s8+$0x150];
	v25 =	vadd.f32 v26, v25;
	v14 =	vsub.f32 v14, v21  }
0x94: {  	v21 =	vld [tilespmem:s8+$0x2150];
	v20 =	vadd.f32 v23, v20;
	v4 =	vsub.f32 v18, v4;
	v23, _, _ =	vpop (xrf2)  }
0x95: {  	v26 =	vld [tilespmem:s8+$0x4140];
	v9 =	vadd.f32 v9, v25;
	v18 =	vsub.f32 v18, v16  }
0x96: {  	v13 =	vsub.f32 v13, v15;
	v25 =	vld [tilespmem:s8+$0x2140];
	v7 =	vadd.f32 v7, v20;
	v20 =	vmul.f32 v24, v24  }
0x97: {  	v1 =	vsub.f32 v1, v22;
	v15 =	vld [tilespmem:s8+$0x140];
	v9 =	vadd.f32 v12, v9;
	v12 =	vmul.f32 v19, v19  }
0x98: {  	v3 =	vadd.f32 v3, v17;
	v13 =	vmul.f32 v13, v13;
	v16 =	vsub.f32 v16, v27;
	v19 =	vld [tilespmem:s8+$0x6130]  }
0x99: {  	v7 =	vadd.f32 v8, v7;
	v8 =	vmul.f32 v14, v14;
	v14 =	vmul.f32 v18, v18;
	v17 =	vld [tilespmem:s8+$0x4130]  }
0x9a: {  	v3 =	vadd.f32 v6, v3;
	v6 =	vmul.f32 v1, v1;
	v16 =	vmul.f32 v16, v16;
	v18 =	vld [tilespmem:s8+$0x2130]  }
0x9b: {  	v4 =	vmul.f32 v4, v4;
	v9 =	vadd.f32 v12, v9;
	v7 =	vadd.f32 v10, v7;
	v22 =	vld [tilespmem:s8+$0x130];
	v1 =	vmovc v25  }
0x9c: {  	v3 =	vadd.f32 v6, v3;
	v6 =	vadd.f32 $1.000000000e+00, v23;
	v10 =	vld [tilespmem:s8+$0x6120]  }
0x9d: {  	v2 =	vadd.f32 $1.000000000e+00, v2;
	v8 =	vadd.f32 v8, v9;
	v12 =	vld [tilespmem:s8+$0x4120]  }
0x9e: {  	v3 =	vadd.f32 v11, v3;
	v7 =	vadd.f32 v20, v7;
	v9 =	vld [tilespmem:s8+$0x2120]  }
0x9f: {  	v2 =	vmax.f32 v2, $0.0e+00;
	v8 =	vadd.f32 v4, v8;
	v4 =	vmax.f32 v6, $0.0e+00;
	v11 =	vld [tilespmem:s8+$0x120]  }
0xa0: {  	v3 =	vadd.f32 v13, v3;
	v2 =	vadd.f32 v2, v4;
	v6 =	vld [tilespmem:s8+$0x6110]  }
0xa1: {  	v7 =	vadd.f32 v14, v7;
	v13 =	vld [tilespmem:s8+$0x4110]  }
0xa2: {  	v16 =	vadd.f32 v16, v3;
	v2 =	vsel vm0, $0x0, v2;
	v14 =	vld [tilespmem:s8+$0x2110]  }
0xa3: {  	v0 =	vadd.f32 v2, v0;
	v20 =	vld [tilespmem:s8+$0x110];
	v3 =	vsub.f32 v9, v10  }
0xa4: {  	v2 =	vsub.f32 v11, v9;
	v27 =	vsub.f32 v11, v12;
	v4 =	vld [tilespmem:s8+$0x4170]  }
0xa5: {  	v9 =	vsub.f32 v22, v18;
	v11 =	vsub.f32 v7, v16;
	v10 =	vld [tilespmem:s8+$0x6100];
	v3 =	vmul.f32 v3, v3  }
0xa6: {  	v8 =	vsub.f32 v7, v8;
	v16 =	vsub.f32 v22, v17;
	v12 =	vld [tilespmem:s8+$0x2100]  }
0xa7: {  	v7 =	vmul.f32 v9, v9;
	v17 =	vld [tilespmem:s8+$0x100];
	v22 =	vsub.f32 v14, v6;
	v6 =	vsub.f32 v18, v19;
	(xrf2) =	vadd.scan.msk.f32 $0xffff, v11  }
0xa8: {  	v9 =	vmul.f32 v16, v16;
	v11 =	vld [tilespmem:s8+$0x4100];
	v18 =	vsub.f32 v20, v14;
	v19 =	vsub.f32 v20, v13  }
0xa9: {  	v13 =	vsub.f32 v15, v1;
	v6 =	vmul.f32 v6, v6;
	v16 =	vld [tilespmem:s8+$0x6150]  }
0xaa: {  	v15 =	vsub.f32 v15, v26;
	v14 =	vld [tilespmem:s8+$0x160];
	(xrf2) =	vadd.scan.msk.f32 $0xffff, v8  }
0xab: {  	v22 =	vmul.f32 v22, v22;
	v8 =	vmul.f32 v13, v13;
	v10 =	vsub.f32 v12, v10;
	v13 =	vld [tilespmem:s8+$0x2160]  }
0xac: {  	v24 =	vsub.f32 v5, v21;
	v23 =	vsub.f32 v17, v12;
	v12 =	vmul.f32 v15, v15;
	v28 =	vld [tilespmem:s8+$0x4150]  }
.Ltmp0:
0xad: {  	v20 =	vmul.f32 v18, v18;
	v11 =	vsub.f32 v17, v11;
	v17 =	vmul.f32 v10, v10;
	v15 =	vld [tilespmem:s8+$0x6160];
	(pc) =	sbr.rel @p1 .LBB2_3-.Ltmp0, $4  }
0xae: {  	v19 =	vmul.f32 v19, v19;
	v10 =	vmul.f32 v24, v24;
	v16 =	vsub.f32 v21, v16;
	v21 =	vld [tilespmem:s8+$0x4160]  }
0xaf: {  	v24 =	vmul.f32 v23, v23;
	v25 =	vmul.f32 v11, v11;
	v17 =	vadd.f32 v22, v17;
	v18 =	vld [tilespmem:s8+$0x170]  }
0xb0: {  	v23 =	vmul.f32 v2, v2;
	v11 =	vmul.f32 v16, v16;
	v16 =	vld [tilespmem:s8+$0x2170]  }
0xb1: {  	v26 =	vmul.f32 v27, v27;
	v25 =	vadd.f32 v19, v25;
	v22 =	vld [tilespmem:s8+$0x6140];
	v19 =	vsub.f32 v5, v28;
	v2, _, _ =	vpop (xrf2)  }
0xb2: {  	_ = 	snop  }
0xb3: {  	v5 =	vadd.f32 v20, v24  }
0xb4: {  	v20 =	vsub.f32 v14, v13;
	v3 =	vadd.f32 v3, v17  }
0xb5: {  	v24 =	vadd.f32 v26, v25;
	v14 =	vsub.f32 v14, v21  }
0xb6: {  	v21 =	vld [tilespmem:s8+$0x6170];
	v5 =	vadd.f32 v23, v5;
	v1 =	vsub.f32 v1, v22  }
0xb7: {  	v4 =	vsub.f32 v18, v4;
	v3 =	vadd.f32 v6, v3  }
0xb8: {  	v9 =	vadd.f32 v9, v24;
	v5 =	vadd.f32 v7, v5;
	v1 =	vmul.f32 v1, v1  }
0xb9: {  	v6 =	vsub.f32 v18, v16;
	v7 =	vsub.f32 v13, v15  }
0xba: {  	v13 =	vmul.f32 v20, v20;
	v5 =	vadd.f32 v8, v5;
	v1 =	vadd.f32 v1, v3  }
0xbb: {  	v8 =	vmul.f32 v19, v19;
	v3 =	vadd.f32 v12, v9;
	v9 =	vsub.f32 v16, v21  }
0xbc: {  	v7 =	vmul.f32 v7, v7;
	v5 =	vadd.f32 v10, v5;
	v1 =	vadd.f32 v11, v1  }
0xbd: {  	v6 =	vmul.f32 v6, v6;
	v10 =	vmul.f32 v14, v14;
	v3 =	vadd.f32 v8, v3  }
0xbe: {  	v8 =	vmul.f32 v9, v9;
	v5 =	vadd.f32 v13, v5;
	v1 =	vadd.f32 v7, v1  }
0xbf: {  	v4 =	vmul.f32 v4, v4;
	v3 =	vadd.f32 v10, v3  }
0xc0: {  	v5 =	vadd.f32 v6, v5;
	v1 =	vadd.f32 v8, v1  }
0xc1: {  	v3 =	vadd.f32 v4, v3  }
0xc2: {  	v1 =	vsub.f32 v5, v1  }
0xc3: {  	v3 =	vsub.f32 v5, v3  }
0xc4: {  	(xrf2) =	vadd.scan.msk.f32 $0xffff, v1  }
0xc5: {  	(xrf2) =	vadd.scan.msk.f32 $0xffff, v3;
	_ =	sdelay $0x7  }
0xc6: {  	v1, _, _ =	vpop (xrf2)  }
0xc7: {  	v3, _, _ =	vpop (xrf2)  }
0xc8: {  	s8 =	simm.s32 @!p0 $0x1;
	v4, _, _ =	vpop (xrf2)  }
0xc9: {  	_ =	swait.ge @!p0 [sflag:s8], $0x40  }
0xca: {  	[sflag:s8] =	ssyncset.done @!p0 $0x0  }
0xcb: {  	[sflag:s8] =	ssyncadd.s32 @!p0 $0xFFFFFFC0  }
0xcc: {  	_ =	swait.ge @!p0 [sflag:s8], $0x40  }
0xcd: {  	s10 =	simm.s32 @!p0 $0x80;
	[sflag:s8] =	ssyncset.done @!p0 $0x0  }
0xce: {  	s11 =	simm.s32 @!p0 $0x6100;
	[sflag:s8] =	ssyncadd.s32 @!p0 $0xFFFFFFC0;
	s8 =	simm.s32 @!p0 $0x40  }
0xcf: {  	[tilespmem:s11], [sflag:$0x3] =	stream.indirect.gather @!p0 [hbm4b:s1+s8], $0x80, s10, s8, $0xb8;
	[tilespmem:$0x10280] =	vst v63  }
0xd0: {  	s10 =	sshll.u32 @!p0 s17, $0xA  }
0xd1: {  	s10 =	sadd.s32 @!p0 s9, s10  }
0xd2: {  	s12 =	simm.s32 @!p0 $0x100;
	s17 =	simm.s32 @!p0 $0x0;
	s11 =	sadd.s32 @!p0 s1, s10  }
0xd3: {  	[tilespmem:s12], [sflag:$0x3] =	stream.linear.gather @!p0 [hbm4b:s11+s17], $0x2000, $0x38;
	[tilespmem:$0x10280] =	vst v63  }
0xd4: {  	s10 =	sadd.s32 @!p0 s3, s10;
	s11 =	simm.s32 @!p0 $0x2100  }
0xd5: {  	[tilespmem:s11], [sflag:$0x3] =	stream.linear.gather @!p0 [hbm4b:s10+s17], $0x2000, $0x38;
	[tilespmem:$0x10280] =	vst v63  }
0xd6: {  	v5 =	vld @!p0 [tilespmem:$0x0]  }
0xd7: {  	v6 =	vld @!p0 [tilespmem:$0x10]  }
0xd8: {  	v7 =	vld @!p0 [tilespmem:$0x20]  }
0xd9: {  	v8 =	vld @!p0 [tilespmem:$0x30];
	_ =	sdelay $0x1  }
0xda: {  	v5 =	vadd.s32 @!p0 $0xFFFFC000, v5  }
0xdb: {  	[tilespmem:$0x0] =	vst @!p0 v5;
	v5 =	vadd.s32 @!p0 $0xFFFFC000, v6  }
0xdc: {  	[tilespmem:$0x10] =	vst @!p0 v5;
	v5 =	vadd.s32 @!p0 $0xFFFFC000, v7  }
0xdd: {  	[tilespmem:$0x20] =	vst @!p0 v5;
	v5 =	vadd.s32 @!p0 $0xFFFFC000, v8  }
0xde: {  	s10 =	simm.s32 @!p0 $0x4100;
	[tilespmem:$0x30] =	vst @!p0 v5  }
0xdf: {  	[tilespmem:s10], [sflag:$0x3] =	stream.indirect.gather @!p0 [hbm4b:s3+s8], $0x80, s17, s8, $0xb8;
	[tilespmem:$0x10280] =	vst v63  }
0xe0: {  	_ =	swait.ge [sflag:s2], $0x2000  }
0xe1: {  	[sflag:s2] =	ssyncset.done $0x0  }
0xe2: {  	[sflag:s2] =	ssyncadd.s32 $0xFFFFE000  }
0xe3: {  	_ =	swait.ge [sflag:s2], $0x2000  }
0xe4: {  	[sflag:s2] =	ssyncset.done $0x0  }
0xe5: {  	[sflag:s2] =	ssyncadd.s32 $0xFFFFE000  }
0xe6: {  	_ =	swait.ge [sflag:s2], $0x2000  }
0xe7: {  	[sflag:s2] =	ssyncset.done $0x0  }
0xe8: {  	[sflag:s2] =	ssyncadd.s32 $0xFFFFE000  }
0xe9: {  	s8 =	sadd.s32 @!p0 s20, s14;
	_ =	swait.ge [sflag:s2], $0x2000  }
0xea: {  	s8 =	sshrl.u32 @!p0 s8, $0x3;
	[sflag:s2] =	ssyncset.done $0x0  }
0xeb: {  	s10 =	simm.s32 @!p0 $0x8100;
	s8 =	sadd.s32 @!p0 s4, s8;
	[sflag:s2] =	ssyncadd.s32 $0xFFFFE000  }
0xec: {  	[tilespmem:s10], [sflag:$0x2] =	stream.linear.gather @!p0 [hbm4b:s8+s17], $0x40, $0x38;
	[tilespmem:$0x10280] =	vst v63  }
0xed: {  	s20 =	simm.s32 $0x0;
	s8 =	sadd.s32 @!p0 $0x800, s8;
	s10 =	simm.s32 @!p0 $0x8180  }
0xee: {  	[tilespmem:s10], [sflag:$0x2] =	stream.linear.gather @!p0 [hbm4b:s8+s17], $0x40, $0x38;
	[tilespmem:$0x10280] =	vst v63  }
0xef: {  	v5 =	vld [tilespmem:s20+$0x8250]  }
0xf0: {  	v6 =	vld [tilespmem:s20+$0xA250]  }
0xf1: {  	v7 =	vld [tilespmem:s20+$0xC240]  }
0xf2: {  	v8 =	vld [tilespmem:s20+$0xA240]  }
0xf3: {  	v9 =	vld [tilespmem:s20+$0x8240]  }
0xf4: {  	v10 =	vld [tilespmem:s20+$0xE230]  }
0xf5: {  	v12 =	vld [tilespmem:s20+$0xA230]  }
0xf6: {  	v13 =	vld [tilespmem:s20+$0x8230]  }
0xf7: {  	v14 =	vld [tilespmem:s20+$0xE220]  }
0xf8: {  	v15 =	vld [tilespmem:s20+$0xC220]  }
0xf9: {  	v16 =	vld [tilespmem:s20+$0xA220]  }
0xfa: {  	v17 =	vld [tilespmem:s20+$0x8220]  }
0xfb: {  	v2 =	vadd.f32 $1.000000000e+00, v2;
	v1 =	vadd.f32 $1.000000000e+00, v1;
	v18 =	vld [tilespmem:s20+$0xE210]  }
0xfc: {  	v19 =	vld [tilespmem:s20+$0xC210]  }
0xfd: {  	v2 =	vmax.f32 v2, $0.0e+00;
	v1 =	vmax.f32 v1, $0.0e+00;
	v20 =	vld [tilespmem:s20+$0xA210]  }
0xfe: {  	v1 =	vadd.f32 v2, v1;
	v21 =	vld [tilespmem:s20+$0x8210]  }
0xff: {  	v3 =	vadd.f32 $1.000000000e+00, v3;
	v4 =	vadd.f32 $1.000000000e+00, v4;
	v23 =	vld [tilespmem:s20+$0xE200]  }
0x100: {  	v1 =	vsel vm0, $0x0, v1;
	v2 =	vld [tilespmem:s20+$0xA200]  }
0x101: {  	v0 =	vadd.f32 v1, v0;
	v3 =	vmax.f32 v3, $0.0e+00;
	v1 =	vmax.f32 v4, $0.0e+00;
	v24 =	vld [tilespmem:s20+$0x8200]  }
0x102: {  	v3 =	vadd.f32 v3, v1;
	v25 =	vld [tilespmem:s20+$0xC200]  }
0x103: {  	v11 =	vld [tilespmem:s20+$0xC230];
	v14 =	vsub.f32 v16, v14;
	v1 =	vsub.f32 v17, v16  }
0x104: {  	v4 =	vld [tilespmem:s20+$0xE250];
	v15 =	vsub.f32 v17, v15;
	v17 =	vsub.f32 v13, v12  }
0x105: {  	v27 =	vld [tilespmem:s20+$0xC250];
	v18 =	vsub.f32 v20, v18;
	v20 =	vsub.f32 v21, v20  }
0x106: {  	v22 =	vld [tilespmem:s20+$0xC270];
	v23 =	vsub.f32 v2, v23;
	v19 =	vsub.f32 v21, v19  }
0x107: {  	v26 =	vld [tilespmem:s20+$0x8260];
	v21 =	vsub.f32 v24, v25;
	v2 =	vsub.f32 v24, v2  }
0x108: {  	s17 =	simm.s32 $0x80;
	v28 =	vld [tilespmem:s20+$0xE260];
	v11 =	vsub.f32 v13, v11;
	v10 =	vsub.f32 v12, v10  }
0x109: {  	v29 =	vld [tilespmem:s17+$0x8250];
	v4 =	vsub.f32 v6, v4;
	v6 =	vsub.f32 v5, v6  }
0x10a: {  	v16 =	vld [tilespmem:s20+$0xA260];
	v5 =	vsub.f32 v5, v27;
	v13 =	vmul.f32 v19, v19;
	v19 =	vmul.f32 v21, v21  }
0x10b: {  	v25 =	vld [tilespmem:s20+$0xC260];
	v7 =	vsub.f32 v9, v7;
	v18 =	vmul.f32 v18, v18;
	v12 =	vmul.f32 v20, v20  }
0x10c: {  	v24 =	vld [tilespmem:s20+$0x8270];
	v2 =	vmul.f32 v2, v2;
	v15 =	vmul.f32 v15, v15;
	v13 =	vadd.f32 v13, v19  }
0x10d: {  	v9 =	vsub.f32 v9, v8;
	v23 =	vmul.f32 v23, v23;
	v20 =	vld [tilespmem:s20+$0xE240];
	v1 =	vmul.f32 v1, v1  }
0x10e: {  	v27 =	vld [tilespmem:s17+$0xC250];
	v11 =	vmul.f32 v11, v11;
	v2 =	vadd.f32 v12, v2;
	v12 =	vadd.f32 v15, v13  }
0x10f: {  	v3 =	vsel vm0, $0x0, v3;
	v21 =	vld [tilespmem:s20+$0xA270];
	v10 =	vmul.f32 v10, v10;
	v9 =	vmul.f32 v9, v9  }
0x110: {  	v18 =	vadd.f32 v18, v23;
	v19 =	vld [tilespmem:s20+$0xE270];
	v11 =	vadd.f32 v11, v12;
	v12 =	vmul.f32 v14, v14  }
0x111: {  	v7 =	vmul.f32 v7, v7;
	v23 =	vld [tilespmem:s17+$0xA250];
	v22 =	vsub.f32 v24, v22;
	v2 =	vadd.f32 v1, v2  }
0x112: {  	v13 =	vmul.f32 v17, v17;
	v1 =	vld [tilespmem:s17+$0xA240];
	v8 =	vsub.f32 v8, v20;
	v12 =	vadd.f32 v12, v18  }
0x113: {  	v6 =	vmul.f32 v6, v6;
	v17 =	vsub.f32 v26, v25;
	v25 =	vld [tilespmem:s17+$0xA230];
	v20 =	vsub.f32 v26, v16  }
0x114: {  	v2 =	vadd.f32 v13, v2;
	v13 =	vld [tilespmem:s17+$0x8240];
	v8 =	vmul.f32 v8, v8;
	v10 =	vadd.f32 v10, v12  }
0x115: {  	v4 =	vmul.f32 v4, v4;
	v16 =	vsub.f32 v16, v28;
	v24 =	vsub.f32 v24, v21;
	v18 =	vld [tilespmem:s17+$0xC230]  }
0x116: {  	v5 =	vmul.f32 v5, v5;
	v2 =	vadd.f32 v9, v2;
	v9 =	vld [tilespmem:s17+$0xE220];
	v8 =	vadd.f32 v8, v10  }
0x117: {  	v20 =	vmul.f32 v20, v20;
	v7 =	vadd.f32 v7, v11;
	v11 =	vsub.f32 v21, v19;
	v19 =	vld [tilespmem:s17+$0xA220]  }
0x118: {  	v16 =	vmul.f32 v16, v16;
	v12 =	vld [tilespmem:s17+$0x8230];
	v2 =	vadd.f32 v6, v2;
	v4 =	vadd.f32 v4, v8  }
0x119: {  	v6 =	vld [tilespmem:s17+$0x8220];
	v5 =	vadd.f32 v5, v7;
	v11 =	vmul.f32 v11, v11;
	v8 =	vmul.f32 v17, v17  }
0x11a: {  	v7 =	vld [tilespmem:s17+$0xE210];
	v2 =	vadd.f32 v20, v2;
	v17 =	vmul.f32 v24, v24;
	v4 =	vadd.f32 v16, v4  }
0x11b: {  	v0 =	vadd.f32 v3, v0;
	v3 =	vmul.f32 v22, v22;
	v10 =	vld [tilespmem:s17+$0xC220];
	v5 =	vadd.f32 v8, v5  }
0x11c: {  	v20 =	vld [tilespmem:s17+$0xA200];
	v17 =	vadd.f32 v17, v2;
	v2 =	vadd.f32 v11, v4  }
0x11d: {  	v11 =	vadd.f32 v3, v5;
	v5 =	vsub.f32 v19, v9;
	v9 =	vld [tilespmem:s17+$0xE200]  }
0x11e: {  	v8 =	vld [tilespmem:s17+$0xA210]  }
0x11f: {  	v14 =	vld [tilespmem:s17+$0xE230]  }
0x120: {  	v26 =	vsub.f32 v29, v23;
	v10 =	vsub.f32 v6, v10;
	v4 =	vld [tilespmem:s17+$0x8210]  }
0x121: {  	v16 =	vld [tilespmem:s17+$0xC210];
	v19 =	vsub.f32 v6, v19;
	v2 =	vsub.f32 v17, v2  }
0x122: {  	v15 =	vld [tilespmem:s17+$0xC240];
	v6 =	vsub.f32 v12, v25;
	v9 =	vsub.f32 v20, v9  }
0x123: {  	v21 =	vld [tilespmem:s17+$0xC200];
	v12 =	vsub.f32 v12, v18;
	v7 =	vsub.f32 v8, v7;
	(xrf2) =	vadd.scan.msk.f32 $0xffff, v2  }
0x124: {  	v18 =	vld [tilespmem:s17+$0x8200];
	v63 =	vmul.f32 v9, v9;
	v9 =	vmul.f32 v26, v26;
	v26 =	vsub.f32 v17, v11  }
0x125: {  	v24 =	vld [tilespmem:s17+$0xE250];
	v2 =	vmul.f32 v5, v5;
	v5 =	vsub.f32 v25, v14;
	v22 =	vsub.f32 v4, v8  }
0x126: {  	v3 =	vld [tilespmem:s17+$0xC270];
	v6 =	vmul.f32 v6, v6;
	v4 =	vsub.f32 v4, v16;
	v16 =	vsub.f32 v13, v1;
	(xrf2) =	vadd.scan.msk.f32 $0xffff, v26  }
0x127: {  	v14 =	vld [tilespmem:s17+$0x8260];
	v8 =	vmul.f32 v12, v12;
	v12 =	vsub.f32 v13, v15;
	v25 =	vmul.f32 v7, v7  }
0x128: {  	v13 =	vld [tilespmem:s17+$0xA260];
	v5 =	vmul.f32 v5, v5;
	v7 =	vmul.f32 v16, v16  }
0x129: {  	v15 =	vld [tilespmem:s17+$0xE260];
	v16 =	vsub.f32 v18, v20;
	v12 =	vmul.f32 v12, v12;
	v18 =	vsub.f32 v18, v21  }
0x12a: {  	v20 =	vmul.f32 v22, v22;
	v4 =	vmul.f32 v4, v4;
	v21 =	vld [tilespmem:s17+$0xC260]  }
0x12b: {  	v22 =	vsub.f32 v23, v24;
	v23 =	vmul.f32 v19, v19;
	v30 =	vmul.f32 v18, v18;
	v18 =	vld [tilespmem:s17+$0x8270]  }
0x12c: {  	v19 =	vsub.f32 v29, v27;
	v24 =	vmul.f32 v16, v16;
	v17 =	vadd.f32 v25, v63;
	v16 =	vld [tilespmem:s17+$0xA270]  }
0x12d: {  	s8 =	simm.s32 $0x400;
	v11 =	vmul.f32 v22, v22;
	v26 =	vmul.f32 v10, v10;
	v22 =	vld [tilespmem:s17+$0xE240];
	v25 =	vadd.f32 v4, v30;
	v10, _, _ =	vpop (xrf2)  }
.LBB2_5:
0x12e: {  	p0 =	sne.s32 s8, $0x7E00;
	v20 =	vadd.f32 v20, v24;
	v24 =	vsub.f32 v14, v13;
	v27 =	vld [tilespmem:s17+$0xE270];
	s17 =	sshra.s32 s8, $0x2;
	s8 =	sadd.s32 $0x200, s8  }
0x12f: {  	v4 =	vld [tilespmem:s17+$0x8250];
	v25 =	vadd.f32 v26, v25;
	v14 =	vsub.f32 v14, v21  }
0x130: {  	v21 =	vld [tilespmem:s17+$0xA250];
	v20 =	vadd.f32 v23, v20;
	v3 =	vsub.f32 v18, v3;
	v23, _, _ =	vpop (xrf2)  }
0x131: {  	v26 =	vld [tilespmem:s17+$0xC240];
	v8 =	vadd.f32 v8, v25;
	v18 =	vsub.f32 v18, v16  }
0x132: {  	v13 =	vsub.f32 v13, v15;
	v25 =	vld [tilespmem:s17+$0xA240];
	v6 =	vadd.f32 v6, v20;
	v20 =	vmul.f32 v24, v24  }
0x133: {  	v1 =	vsub.f32 v1, v22;
	v15 =	vld [tilespmem:s17+$0x8240];
	v8 =	vadd.f32 v12, v8;
	v12 =	vmul.f32 v19, v19  }
0x134: {  	v2 =	vadd.f32 v2, v17;
	v13 =	vmul.f32 v13, v13;
	v16 =	vsub.f32 v16, v27;
	v19 =	vld [tilespmem:s17+$0xE230]  }
0x135: {  	v6 =	vadd.f32 v7, v6;
	v7 =	vmul.f32 v14, v14;
	v14 =	vmul.f32 v18, v18;
	v17 =	vld [tilespmem:s17+$0xC230]  }
0x136: {  	v2 =	vadd.f32 v5, v2;
	v5 =	vmul.f32 v1, v1;
	v16 =	vmul.f32 v16, v16;
	v18 =	vld [tilespmem:s17+$0xA230]  }
0x137: {  	v3 =	vmul.f32 v3, v3;
	v8 =	vadd.f32 v12, v8;
	v6 =	vadd.f32 v9, v6;
	v22 =	vld [tilespmem:s17+$0x8230];
	v1 =	vmovc v25  }
0x138: {  	v2 =	vadd.f32 v5, v2;
	v5 =	vadd.f32 $1.000000000e+00, v23;
	v9 =	vld [tilespmem:s17+$0xE220]  }
0x139: {  	v7 =	vadd.f32 v7, v8;
	v8 =	vadd.f32 $1.000000000e+00, v10;
	v12 =	vld [tilespmem:s17+$0xC220]  }
0x13a: {  	v2 =	vadd.f32 v11, v2;
	v6 =	vadd.f32 v20, v6;
	v10 =	vld [tilespmem:s17+$0xA220]  }
0x13b: {  	v7 =	vadd.f32 v3, v7;
	v3 =	vmax.f32 v5, $0.0e+00;
	v5 =	vmax.f32 v8, $0.0e+00;
	v11 =	vld [tilespmem:s17+$0x8220]  }
0x13c: {  	v2 =	vadd.f32 v13, v2;
	v3 =	vadd.f32 v5, v3;
	v8 =	vld [tilespmem:s17+$0xE210]  }
0x13d: {  	v6 =	vadd.f32 v14, v6;
	v5 =	vld [tilespmem:s17+$0xC210]  }
0x13e: {  	v14 =	vadd.f32 v16, v2;
	v2 =	vsel vm0, $0x0, v3;
	v13 =	vld [tilespmem:s17+$0xA210]  }
0x13f: {  	v0 =	vadd.f32 v2, v0;
	v16 =	vld [tilespmem:s17+$0x8210];
	v9 =	vsub.f32 v10, v9  }
0x140: {  	v10 =	vsub.f32 v11, v10;
	v27 =	vsub.f32 v11, v12;
	v3 =	vld [tilespmem:s17+$0xC270]  }
0x141: {  	v12 =	vsub.f32 v6, v14;
	v11 =	vld [tilespmem:s17+$0xE200];
	v2 =	vmul.f32 v9, v9;
	v9 =	vsub.f32 v22, v18  }
0x142: {  	v7 =	vsub.f32 v6, v7;
	v14 =	vsub.f32 v22, v17;
	v20 =	vld [tilespmem:s17+$0xA200]  }
0x143: {  	v17 =	vld [tilespmem:s17+$0x8200];
	v22 =	vsub.f32 v13, v8;
	v6 =	vmul.f32 v9, v9;
	v9 =	vsub.f32 v18, v19;
	(xrf2) =	vadd.scan.msk.f32 $0xffff, v12  }
0x144: {  	v8 =	vmul.f32 v14, v14;
	v18 =	vld [tilespmem:s17+$0xC200];
	v19 =	vsub.f32 v16, v13;
	v16 =	vsub.f32 v16, v5  }
0x145: {  	v5 =	vmul.f32 v9, v9;
	v9 =	vsub.f32 v15, v1;
	v23 =	vld [tilespmem:s17+$0xE250]  }
0x146: {  	v12 =	vsub.f32 v15, v26;
	v14 =	vld [tilespmem:s17+$0x8260];
	(xrf2) =	vadd.scan.msk.f32 $0xffff, v7  }
0x147: {  	v22 =	vmul.f32 v22, v22;
	v11 =	vsub.f32 v20, v11;
	v7 =	vmul.f32 v9, v9;
	v13 =	vld [tilespmem:s17+$0xA260]  }
0x148: {  	v12 =	vmul.f32 v12, v12;
	v9 =	vsub.f32 v4, v21;
	v24 =	vsub.f32 v17, v20;
	v28 =	vld [tilespmem:s17+$0xC250]  }
.Ltmp1:
0x149: {  	v20 =	vmul.f32 v19, v19;
	v17 =	vsub.f32 v17, v18;
	v11 =	vmul.f32 v11, v11;
	v15 =	vld [tilespmem:s17+$0xE260];
	(pc) =	sbr.rel @p0 .LBB2_5-.Ltmp1, $4  }
0x14a: {  	v19 =	vmul.f32 v16, v16;
	v9 =	vmul.f32 v9, v9;
	v16 =	vsub.f32 v21, v23;
	v21 =	vld [tilespmem:s17+$0xC260]  }
0x14b: {  	v24 =	vmul.f32 v24, v24;
	v25 =	vmul.f32 v17, v17;
	v17 =	vadd.f32 v22, v11;
	v18 =	vld [tilespmem:s17+$0x8270]  }
0x14c: {  	v23 =	vmul.f32 v10, v10;
	v11 =	vmul.f32 v16, v16;
	v16 =	vld [tilespmem:s17+$0xA270]  }
0x14d: {  	v26 =	vmul.f32 v27, v27;
	v25 =	vadd.f32 v19, v25;
	v22 =	vld [tilespmem:s17+$0xE240];
	v19 =	vsub.f32 v4, v28;
	v10, _, _ =	vpop (xrf2)  }
0x14e: {  	_ = 	snop  }
0x14f: {  	v4 =	vadd.f32 v20, v24  }
0x150: {  	v52 =	vsub.f32 v14, v13;
	v2 =	vadd.f32 v2, v17  }
0x151: {  	v57 =	vsub.f32 v13, v15;
	v53 =	vadd.f32 v26, v25  }
0x152: {  	v55 =	vld [tilespmem:s17+$0xE270];
	v4 =	vadd.f32 v23, v4;
	v1 =	vsub.f32 v1, v22  }
0x153: {  	v54 =	vsub.f32 v14, v21;
	v3 =	vsub.f32 v18, v3  }
0x154: {  	v2 =	vadd.f32 v5, v2;
	v4 =	vadd.f32 v6, v4;
	v1 =	vmul.f32 v1, v1  }
0x155: {  	v8 =	vadd.f32 v8, v53;
	v56 =	vsub.f32 v18, v16  }
0x156: {  	v59 =	vmul.f32 v19, v19;
	v4 =	vadd.f32 v7, v4;
	v1 =	vadd.f32 v1, v2  }
0x157: {  	v58 =	vmul.f32 v52, v52;
	v60 =	vsub.f32 v16, v55;
	v2 =	vadd.f32 v12, v8  }
0x158: {  	v6 =	vmul.f32 v57, v57;
	v4 =	vadd.f32 v9, v4;
	v1 =	vadd.f32 v11, v1  }
0x159: {  	v61 =	vmul.f32 v54, v54;
	v5 =	vmul.f32 v56, v56;
	v2 =	vadd.f32 v59, v2  }
0x15a: {  	v62 =	vmul.f32 v60, v60;
	v4 =	vadd.f32 v58, v4;
	v1 =	vadd.f32 v6, v1  }
0x15b: {  	v3 =	vmul.f32 v3, v3;
	v2 =	vadd.f32 v61, v2  }
0x15c: {  	v4 =	vadd.f32 v5, v4;
	v1 =	vadd.f32 v62, v1  }
0x15d: {  	v2 =	vadd.f32 v3, v2  }
0x15e: {  	v1 =	vsub.f32 v4, v1  }
0x15f: {  	v2 =	vsub.f32 v4, v2  }
0x160: {  	(xrf2) =	vadd.scan.msk.f32 $0xffff, v1  }
0x161: {  	(xrf2) =	vadd.scan.msk.f32 $0xffff, v2;
	_ =	sdelay $0x7  }
0x162: {  	v2 =	vadd.f32 $1.000000000e+00, v10;
	v1, _, _ =	vpop (xrf2)  }
0x163: {  	v1 =	vadd.f32 $1.000000000e+00, v1;
	v3, _, _ =	vpop (xrf2)  }
0x164: {  	v2 =	vmax.f32 v2, $0.0e+00;
	v63, _, _ =	vpop (xrf2)  }
0x165: {  	s23 =	sadd.s32 $0x1, s23;
	v1 =	vmax.f32 v1, $0.0e+00;
	v3 =	vadd.f32 $1.000000000e+00, v3;
	v4 =	vadd.f32 $1.000000000e+00, v63  }
0x166: {  	p0 =	sne.s32 s23, $0x4;
	v1 =	vadd.f32 v2, v1  }
.Ltmp2:
0x167: {  	v3 =	vmax.f32 v3, $0.0e+00;
	v2 =	vmax.f32 v4, $0.0e+00;
	(pc) =	sbr.rel @p0 .LBB2_2-.Ltmp2, $4  }
0x168: {  	v1 =	vsel vm0, $0x0, v1;
	v2 =	vadd.f32 v3, v2  }
0x169: {  	v0 =	vadd.f32 v1, v0  }
0x16a: {  	v1 =	vsel vm0, $0x0, v2  }
0x16b: {  	v0 =	vadd.f32 v1, v0  }
0x16c: {  	s22 =	sadd.s32 $0x1, s22  }
0x16d: {  	p0 =	sne.s32 s22, s16  }
.Ltmp3:
0x16e: {  	s8 =	simm.s32 $0x10200;
	[tilespmem:$0x10200] =	vst v0;
	(pc) =	sbr.rel @p0 .LBB2_1-.Ltmp3, $4  }
0x16f: {  	[hbm4b:s15+s5] =	stream.linear.scatter [tilespmem:s8], [sflag:$0x5], $0x80, $0x38;
	[tilespmem:$0x10280] =	vst v63  }
0x170: {  	_ =	swait.ge [sflag:s21], $0x80  }
0x171: {  	[sflag:s21] =	ssyncset.done $0x0  }
0x172: {  	[sflag:s21] =	ssyncadd.s32 $0xFFFFFF80  }
0x173: {  	_ =	sfence.sel $0x180000  }
0x174: {  	[bflag:$0x0] =	sbarrier.arrive $0xFFFF  }
0x175: {  	_ =	strace $0x90000047  }
0x176: {  	s0 =	stileid.u32;
	[bflag:$0x2] =	sbarrier.arrive $0xFFFF  }
0x177: {  	p0 =	sne.s32 s0, $0x0;
	s0 =	rddreg [dreg:$0x4]  }
0x178: {  	s0 =	sadd.s32 @!p0 $0x100000, s0  }
0x179: {  	[sflag:s0] =	ssyncadd.tile.s32 @!p0 $0x1;
	_ =	shalt  }
.Lfunc_end2:
_tile_overlayer_lowered:
.L_overlay_start_2:
0x17a: {  	(tag) =	ssettag $0x2  }
0x17b: {  	s0 =	rddreg [dreg:$0x0];
	s2 =	stileid.u32  }
0x17c: {  	s1 =	rddreg [dreg:$0x1];
	p0 =	sne.s32 s2, $0x0  }
0x17d: {  	s3 =	rddreg [dreg:$0x2];
	[bflag:$0x3] =	sbarrier.arrive $0xFFFF;
	s2 =	simm.s32 @!p0 $0x1C05  }
0x17e: {  	[timem:s3], [sflag:s2] =	dma.local @!p0 [hbm:s0], s1  }
0x17f: {  	s0 =	simm.s32 @!p0 $0x5  }
0x180: {  	_ =	swait.ge @!p0 [sflag:s0], s1  }
0x181: {  	s1 =	ssub.s32 @!p0 $0x0, s1;
	[sflag:s0] =	ssyncset.done @!p0 $0x0  }
0x182: {  	[sflag:s0] =	ssyncadd.s32 @!p0 s1  }
0x183: {  	[bflag:$0x3] =	sbarrier.arrive $0xFFFF  }
0x184: {  	_ =	shalt  }

</sc_bundles>
